<compile_context>
chip_gen: v7x
topology: tpu7x:2x2x1
jax: 0.10.2.dev20260603
libtpu: 0.0.44.dev20260713+nightly
codegen_flags: <defaults>
</compile_context>

<pallas_src>
import dataclasses

import jax
import jax.numpy as jnp
from jax import lax
from jax.experimental import pallas as pl
from jax.experimental.pallas import tpu as pltpu
from jax.experimental.pallas import tpu_sc as plsc

N = 10000
D = 128
E = 320000
NACC = 10240
NROWS = 10240

NP = 5
FP = 31
DP = 32

NC = 2
NS = 16
NW = NC * NS
SUBCH = 128
CH = 512
KSUB = CH // SUBCH
EW = 10240
TOT = EW * NW
NCHUNK = EW // CH
ZROWS = NROWS // NS

R_PRE = 1000


def _pre_body(x_ref, wt_ref, b_ref, w1_ref, b1_ref, w2_ref, b2_ref,
              hp_ref, a1_ref, a2_ref, c_ref, mx_ref):
    i = pl.program_id(0)
    h = jnp.dot(x_ref[...], wt_ref[...], preferred_element_type=jnp.float32)
    h = h + b_ref[...]
    jc = lax.broadcasted_iota(jnp.int32, (D, NP * DP), 1)
    ir = lax.broadcasted_iota(jnp.int32, (D, NP * DP), 0)
    pp = jc // DP
    rr = jc % DP
    num_mask = (jc < 4 * DP) & (rr < FP) & (ir == pp * FP + rr)
    last_mask = (jc >= 4 * DP) & (jc < 4 * DP + 4) & (ir == 4 * FP + jc - 4 * DP)
    sel = jnp.where(num_mask | last_mask, 1.0, 0.0).astype(jnp.float32)
    hpv = lax.dot_general(h, sel, (((1,), (0,)), ((), ())),
                          precision=lax.Precision.HIGHEST,
                          preferred_element_type=jnp.float32)
    jc2 = lax.broadcasted_iota(jnp.int32, (R_PRE, NP * DP), 1)
    onescols = jnp.where(jc2 % DP == DP - 1, 1.0, 0.0).astype(jnp.float32)
    hp_ref[...] = hpv + onescols
    a1 = jnp.sum(h * w1_ref[...], axis=1, keepdims=True) + b1_ref[0]
    a2 = jnp.sum(h * w2_ref[...], axis=1, keepdims=True) + b2_ref[0]
    a1_ref[...] = a1
    a2_ref[...] = a2
    m1 = jnp.max(a1)
    m2 = jnp.max(a2)

    @pl.when(i == 0)
    def _():
        mx_ref[0] = m1
        mx_ref[1] = m2

    @pl.when(i > 0)
    def _():
        mx_ref[0] = jnp.maximum(mx_ref[0], m1)
        mx_ref[1] = jnp.maximum(mx_ref[1], m2)

    c_ref[...] = jnp.full((16,), jnp.maximum(mx_ref[0] + mx_ref[1], 0.0),
                          jnp.float32)


def _tc_pre(x, wt, b2d, w1, b1, w2, b2):
    return pl.pallas_call(
        _pre_body,
        grid=(N // R_PRE,),
        in_specs=[
            pl.BlockSpec((R_PRE, D), lambda i: (i, 0)),
            pl.BlockSpec((D, D), lambda i: (0, 0)),
            pl.BlockSpec((1, D), lambda i: (0, 0)),
            pl.BlockSpec((1, D), lambda i: (0, 0)),
            pl.BlockSpec(memory_space=pltpu.SMEM),
            pl.BlockSpec((1, D), lambda i: (0, 0)),
            pl.BlockSpec(memory_space=pltpu.SMEM),
        ],
        out_specs=[pl.BlockSpec((R_PRE, NP * DP), lambda i: (i, 0))] + [
            pl.BlockSpec((R_PRE, 1), lambda i: (i, 0)),
            pl.BlockSpec((R_PRE, 1), lambda i: (i, 0)),
            pl.BlockSpec((16,), lambda i: (0,)),
        ],
        out_shape=[jax.ShapeDtypeStruct((N, NP * DP), jnp.float32)] + [
            jax.ShapeDtypeStruct((N, 1), jnp.float32),
            jax.ShapeDtypeStruct((N, 1), jnp.float32),
            jax.ShapeDtypeStruct((16,), jnp.float32),
        ],
        scratch_shapes=[pltpu.SMEM((2,), jnp.float32)],
    )(x, wt, b2d, w1, b1, w2, b2)


def _sc_body(src_hbm, dst_hbm, a1_hbm, a2_hbm, c_hbm, hp_hbm, out_hbm,
             a1_v, a2_v, c_v, si_v, di_v, gi_v, ev_v, rows_v, acc, gsem,
             ssem):
    cid = lax.axis_index("c")
    sid = lax.axis_index("s")
    w = cid * NS + sid
    rowbase = w * (EW // SUBCH)
    zbase = sid * ZROWS

    pltpu.sync_copy(a1_hbm, a1_v)
    pltpu.sync_copy(a2_hbm, a2_v)
    pltpu.sync_copy(c_hbm, c_v)
    pltpu.sync_copy(src_hbm.at[pl.ds(rowbase, EW // SUBCH)], si_v)
    pltpu.sync_copy(dst_hbm.at[pl.ds(rowbase, EW // SUBCH)], di_v)
    cvec = c_v[...]

    @pl.loop(0, EW // SUBCH)
    def _(r):
        @plsc.parallel_loop(0, SUBCH, 16, unroll=2)
        def _(k):
            s16 = si_v[r, pl.ds(k, 16)]
            d16 = di_v[r, pl.ds(k, 16)]
            v = (plsc.load_gather(a1_v, [s16])
                 + plsc.load_gather(a2_v, [d16]))
            v = jnp.where(v > 0, v, 0.01 * v)
            ev_v[pl.ds(r * SUBCH + k, 16)] = jnp.exp(v - cvec)

    def build_gi(ci, par, p):
        for j in range(KSUB):
            @plsc.parallel_loop(0, SUBCH, 16, unroll=2)
            def _(k):
                d16 = di_v[ci * KSUB + j, pl.ds(k, 16)]
                gi_v[par * KSUB + j, pl.ds(k, 16)] = d16 * NP + p

    def fire_gathers(par):
        for j in range(KSUB):
            pltpu.async_copy(hp_hbm.at[gi_v.at[par * KSUB + j]],
                             rows_v.at[pl.ds(par * CH + j * SUBCH, SUBCH)],
                             gsem)

    def wait_gathers(par):
        for j in range(KSUB):
            pltpu.make_async_copy(
                hp_hbm.at[gi_v.at[par * KSUB + j]],
                rows_v.at[pl.ds(par * CH + j * SUBCH, SUBCH)], gsem).wait()

    def fire_scatters(ci, par):
        for j in range(KSUB):
            pltpu.async_copy(rows_v.at[pl.ds(par * CH + j * SUBCH, SUBCH)],
                             acc.at[si_v.at[ci * KSUB + j]], ssem, add=True)

    def wait_scatters(ci, par):
        for j in range(KSUB):
            pltpu.make_async_copy(
                rows_v.at[pl.ds(par * CH + j * SUBCH, SUBCH)],
                acc.at[si_v.at[ci * KSUB + j]], ssem).wait()

    @pl.loop(0, NP)
    def _(p):
        @pl.loop(0, ZROWS)
        def _(r):
            for m in range(DP // 16):
                rows_v[r, pl.ds(m * 16, 16)] = jnp.zeros((16,), jnp.float32)
        pltpu.sync_copy(rows_v.at[pl.ds(0, ZROWS)],
                        acc.at[pl.ds(zbase, ZROWS)])
        plsc.subcore_barrier()

        @pl.loop(0, NCHUNK + 1)
        def _(ci):
            par = ci % 2
            nxt = 1 - par

            @pl.when(ci >= 2)
            def _():
                wait_scatters(ci - 2, par)

            @pl.when(ci < NCHUNK)
            def _():
                build_gi(ci, par, p)
                fire_gathers(par)

            @pl.when(ci >= 1)
            def _():
                wait_gathers(nxt)
                ebase = (ci - 1) * CH
                rbase = nxt * CH

                @plsc.parallel_loop(0, CH, 1, unroll=4)
                def _(e):
                    evb = plsc.load_gather(ev_v,
                                           [lax.broadcast(ebase + e, (16,))])
                    for m in range(DP // 16):
                        rows_v[rbase + e, pl.ds(m * 16, 16)] = (
                            rows_v[rbase + e, pl.ds(m * 16, 16)] * evb)

                fire_scatters(ci - 1, nxt)

        wait_scatters(NCHUNK - 1, (NCHUNK - 1) % 2)

        plsc.subcore_barrier()
        pltpu.sync_copy(acc.at[pl.ds(zbase, ZROWS)],
                        out_hbm.at[cid, p, pl.ds(zbase, ZROWS)])


def _sc_edges(src, dst, a1p, a2p, c, hps):
    mesh = plsc.VectorSubcoreMesh(core_axis_name="c", subcore_axis_name="s",
                                  num_cores=NC, num_subcores=NS)
    cp = pltpu.CompilerParams()
    if "needs_layout_passes" in pltpu.CompilerParams.__dataclass_fields__:
        cp = dataclasses.replace(cp, needs_layout_passes=False)
    if "use_tc_tiling_on_sc" in pltpu.CompilerParams.__dataclass_fields__:
        cp = dataclasses.replace(cp, use_tc_tiling_on_sc=False)
    kfn = pl.kernel(
        _sc_body,
        out_type=jax.ShapeDtypeStruct((NC, NP, NROWS, DP), jnp.float32),
        mesh=mesh,
        scratch_types=[
            pltpu.VMEM((NACC,), jnp.float32),
            pltpu.VMEM((NACC,), jnp.float32),
            pltpu.VMEM((16,), jnp.float32),
            pltpu.VMEM((EW // SUBCH, SUBCH), jnp.int32),
            pltpu.VMEM((EW // SUBCH, SUBCH), jnp.int32),
            pltpu.VMEM((2 * KSUB, SUBCH), jnp.int32),
            pltpu.VMEM((EW,), jnp.float32),
            pltpu.VMEM((2 * CH, DP), jnp.float32),
            pltpu.VMEM_SHARED((NROWS, DP), jnp.float32),
            pltpu.SemaphoreType.DMA,
            pltpu.SemaphoreType.DMA,
        ],
        compiler_params=cp,
    )
    return kfn(src, dst, a1p, a2p, c, hps)


def _post_body(p_ref, o_ref):
    s0 = p_ref[0, 0] + p_ref[1, 0]
    den = s0[:, DP - 1:DP]
    slabs = [s0[:, :FP]]
    for p in range(1, NP):
        sp = p_ref[0, p] + p_ref[1, p]
        slabs.append(sp[:, :FP] if p < NP - 1 else sp[:, :D - 4 * FP])
    num = jnp.concatenate(slabs, axis=1)
    o_ref[...] = jnp.where(den > 0, num / den, 0.0)


def _tc_post(p):
    return pl.pallas_call(
        _post_body,
        grid=(N // R_PRE,),
        in_specs=[pl.BlockSpec((NC, NP, R_PRE, DP), lambda i: (0, 0, i, 0))],
        out_specs=pl.BlockSpec((R_PRE, D), lambda i: (i, 0)),
        out_shape=jax.ShapeDtypeStruct((N, D), jnp.float32),
    )(p)


def kernel(features, indices, W, b, W_a1, b_a1, W_a2, b_a2):
    wt = W.T
    b2d = b.reshape(1, D)
    b1 = b_a1
    b2 = b_a2
    hp, a1, a2, c = _tc_pre(features, wt, b2d, W_a1, b1, W_a2, b2)
    hpq = hp.reshape(NP * N, DP)

    a1p = jnp.concatenate(
        [a1.reshape(N), jnp.full((NACC - N,), -jnp.inf, jnp.float32)])
    a2p = jnp.concatenate([a2.reshape(N), jnp.zeros((NACC - N,), jnp.float32)])

    idx = indices.astype(jnp.int32)
    pad = TOT - E
    pad_src = N + jnp.arange(pad, dtype=jnp.int32) % (NROWS - N)
    pad_dst = jnp.arange(pad, dtype=jnp.int32) % N
    src = jnp.concatenate([idx[0], pad_src])
    dst = jnp.concatenate([idx[1], pad_dst])
    src = src.reshape(TOT // SUBCH, SUBCH)
    dst = dst.reshape(TOT // SUBCH, SUBCH)

    p = _sc_edges(src, dst, a1p, a2p, c, hpq)
    return _tc_post(p)

# --- scband reference (transcript-rebuilt; emitter-appended) ---
"""Pipeline reference for scband-gatlayer-27977416966233 (READ-ONLY COPY).

The authoritative reference and input builder live on the scoring server;
editing this copy changes nothing except your own understanding.
"""

import jax, jax.numpy as jnp
import numpy as np

N = 10000
D_IN = 128
D_OUT = 128
E = 320000


def setup_inputs(seed: int = 0) -> dict:
    key = jax.random.key(seed)
    ks = jax.random.split(key, 9)
    features = jax.random.normal(ks[0], (N, D_IN), dtype=jnp.float32)
    indices = jax.random.randint(ks[1], (2, E), 0, N)
    lim = 1.0 / np.sqrt(D_IN)
    W = jax.random.uniform(ks[2], (D_OUT, D_IN), minval=-lim, maxval=lim, dtype=jnp.float32)
    b = jax.random.uniform(ks[3], (D_OUT,), minval=-lim, maxval=lim, dtype=jnp.float32)
    lim_a = 1.0 / np.sqrt(D_OUT)
    W_a1 = jax.random.uniform(ks[4], (1, D_OUT), minval=-lim_a, maxval=lim_a, dtype=jnp.float32)
    b_a1 = jax.random.uniform(ks[5], (1,), minval=-lim_a, maxval=lim_a, dtype=jnp.float32)
    W_a2 = jax.random.uniform(ks[6], (1, D_OUT), minval=-lim_a, maxval=lim_a, dtype=jnp.float32)
    b_a2 = jax.random.uniform(ks[7], (1,), minval=-lim_a, maxval=lim_a, dtype=jnp.float32)
    return {"features": features, "indices": indices, "W": W, "b": b,
            "W_a1": W_a1, "b_a1": b_a1, "W_a2": W_a2, "b_a2": b_a2}


def reference(features, indices, W, b, W_a1, b_a1, W_a2, b_a2):
    # features = self.layer(features)
    h = features @ W.T + b  # [N, D_OUT]
    # a_1 = self.a_1(features); a_2 = self.a_2(features)
    a1 = h @ W_a1.T + b_a1  # [N, 1]
    a2 = h @ W_a2.T + b_a2  # [N, 1]
    src = indices[0]
    dst = indices[1]
    # v = (a_1 + a_2.T)[indices[0], indices[1]] == a1[src] + a2[dst]
    v = a1[src, 0] + a2[dst, 0]  # [E]
    # LeakyReLU (default negative_slope=0.01)
    v = jnp.where(v > 0, v, 0.01 * v)
    # torch.sparse.softmax(e, dim=1): row-wise (per src) segment softmax
    m = jax.ops.segment_max(v, src, num_segments=N)
    m = jnp.where(jnp.isfinite(m), m, 0.0)
    ev = jnp.exp(v - m[src])
    s = jax.ops.segment_sum(ev, src, num_segments=N)
    attn = ev / s[src]
    # torch.sparse.mm(attention, features): scatter-add of attn-weighted neighbor feats
    out = jax.ops.segment_sum(attn[:, None] * h[dst], src, num_segments=N)
    return out

if __name__ == "__main__":
    import jax
    _d = setup_inputs()
    print(jax.jit(kernel)(*tuple(_d.values())))

</pallas_src>

<mosaic_0001>
#map = affine_map<(d0, d1) -> (0, 0)>
#map1 = affine_map<(d0, d1) -> (0)>
#map2 = affine_map<(d0, d1) -> (0, 0, 0, 0)>
module attributes {stable_mosaic.version = 14 : i64} {
  func.func @_sc_body(%arg0: i32, %arg1: i32, %arg2: memref<2560x128xi32, #tpu.memory_space<hbm>>, %arg3: memref<2560x128xi32, #tpu.memory_space<hbm>>, %arg4: memref<10240xf32, #tpu.memory_space<hbm>>, %arg5: memref<10240xf32, #tpu.memory_space<hbm>>, %arg6: memref<16xf32, #tpu.memory_space<hbm>>, %arg7: memref<50000x32xf32, #tpu.memory_space<hbm>>, %arg8: memref<2x5x10240x32xf32, #tpu.memory_space<hbm>>, %arg9: memref<10240xf32, #tpu.memory_space<vmem>>, %arg10: memref<10240xf32, #tpu.memory_space<vmem>>, %arg11: memref<16xf32, #tpu.memory_space<vmem>>, %arg12: memref<80x128xi32, #tpu.memory_space<vmem>>, %arg13: memref<80x128xi32, #tpu.memory_space<vmem>>, %arg14: memref<8x128xi32, #tpu.memory_space<vmem>>, %arg15: memref<10240xf32, #tpu.memory_space<vmem>>, %arg16: memref<1024x32xf32, #tpu.memory_space<vmem>>, %arg17: memref<10240x32xf32, #tpu.memory_space<vmem_shared>>, %arg18: memref<!tpu.dma_semaphore, #tpu.memory_space<semaphore_mem>>, %arg19: memref<!tpu.dma_semaphore, #tpu.memory_space<semaphore_mem>>) attributes {dimension_semantics = [#tpu.dimension_semantics<core_parallel>, #tpu.dimension_semantics<subcore_parallel>], iteration_bounds = array<i64: 2, 16>, scalar_prefetch = 0 : i64, scratch_operands = 11 : i64, tpu.core_type = #tpu.core_type<sc_vector_subcore>, window_params = [{transform_indices = #map}, {transform_indices = #map}, {transform_indices = #map1}, {transform_indices = #map1}, {transform_indices = #map1}, {transform_indices = #map}, {transform_indices = #map2}]} {
    %mul3A = arith.constant 16 : i32
    %mul3A_0 = arith.muli %arg0, %mul3A : i32
    %add3A = arith.addi %mul3A_0, %arg1 : i32
    %mul3A_1 = arith.constant 80 : i32
    %mul3A_2 = arith.muli %add3A, %mul3A_1 : i32
    %mul3A_3 = arith.constant 640 : i32
    %mul3A_4 = arith.muli %arg1, %mul3A_3 : i32
    "tpu.region"() ({
      %run_scoped3A = tpu.sem_alloc : memref<!tpu.dma_semaphore, #tpu.memory_space<semaphore_mem>>
      tpu.enqueue_dma source(%arg4 : memref<10240xf32, #tpu.memory_space<hbm>>) target(%arg9 : memref<10240xf32, #tpu.memory_space<vmem>>) target_semaphore(%run_scoped3A : memref<!tpu.dma_semaphore, #tpu.memory_space<semaphore_mem>>)
      tpu.wait_dma2 semaphore(%run_scoped3A : memref<!tpu.dma_semaphore, #tpu.memory_space<semaphore_mem>>) src(%arg4 : memref<10240xf32, #tpu.memory_space<hbm>>) dst(%arg9 : memref<10240xf32, #tpu.memory_space<vmem>>)
      tpu.yield
    }) : () -> ()
    "tpu.region"() ({
      %run_scoped3A = tpu.sem_alloc : memref<!tpu.dma_semaphore, #tpu.memory_space<semaphore_mem>>
      tpu.enqueue_dma source(%arg5 : memref<10240xf32, #tpu.memory_space<hbm>>) target(%arg10 : memref<10240xf32, #tpu.memory_space<vmem>>) target_semaphore(%run_scoped3A : memref<!tpu.dma_semaphore, #tpu.memory_space<semaphore_mem>>)
      tpu.wait_dma2 semaphore(%run_scoped3A : memref<!tpu.dma_semaphore, #tpu.memory_space<semaphore_mem>>) src(%arg5 : memref<10240xf32, #tpu.memory_space<hbm>>) dst(%arg10 : memref<10240xf32, #tpu.memory_space<vmem>>)
      tpu.yield
    }) : () -> ()
    "tpu.region"() ({
      %run_scoped3A = tpu.sem_alloc : memref<!tpu.dma_semaphore, #tpu.memory_space<semaphore_mem>>
      tpu.enqueue_dma source(%arg6 : memref<16xf32, #tpu.memory_space<hbm>>) target(%arg11 : memref<16xf32, #tpu.memory_space<vmem>>) target_semaphore(%run_scoped3A : memref<!tpu.dma_semaphore, #tpu.memory_space<semaphore_mem>>)
      tpu.wait_dma2 semaphore(%run_scoped3A : memref<!tpu.dma_semaphore, #tpu.memory_space<semaphore_mem>>) src(%arg6 : memref<16xf32, #tpu.memory_space<hbm>>) dst(%arg11 : memref<16xf32, #tpu.memory_space<vmem>>)
      tpu.yield
    }) : () -> ()
    "tpu.region"() ({
      %run_scoped3A = tpu.sem_alloc : memref<!tpu.dma_semaphore, #tpu.memory_space<semaphore_mem>>
      %dma_start3A = arith.constant 0 : i32
      %dma_start3A_15 = tpu.memref_slice %arg2[%mul3A_2, %dma_start3A] : memref<2560x128xi32, #tpu.memory_space<hbm>> -> memref<80x128xi32, #tpu.memory_space<hbm>>
      %dma_start3A_16 = arith.constant 0 : i32
      %dma_start3A_17 = tpu.memref_slice %arg2[%mul3A_2, %dma_start3A_16] : memref<2560x128xi32, #tpu.memory_space<hbm>> -> memref<80x128xi32, #tpu.memory_space<hbm>>
      tpu.enqueue_dma source(%dma_start3A_17 : memref<80x128xi32, #tpu.memory_space<hbm>>) target(%arg12 : memref<80x128xi32, #tpu.memory_space<vmem>>) target_semaphore(%run_scoped3A : memref<!tpu.dma_semaphore, #tpu.memory_space<semaphore_mem>>)
      %dma_wait3A = arith.constant 0 : i32
      %dma_wait3A_18 = tpu.memref_slice %arg2[%mul3A_2, %dma_wait3A] : memref<2560x128xi32, #tpu.memory_space<hbm>> -> memref<80x128xi32, #tpu.memory_space<hbm>>
      %dma_wait3A_19 = arith.constant 0 : i32
      %dma_wait3A_20 = tpu.memref_slice %arg2[%mul3A_2, %dma_wait3A_19] : memref<2560x128xi32, #tpu.memory_space<hbm>> -> memref<80x128xi32, #tpu.memory_space<hbm>>
      tpu.wait_dma2 semaphore(%run_scoped3A : memref<!tpu.dma_semaphore, #tpu.memory_space<semaphore_mem>>) src(%dma_wait3A_20 : memref<80x128xi32, #tpu.memory_space<hbm>>) dst(%arg12 : memref<80x128xi32, #tpu.memory_space<vmem>>)
      tpu.yield
    }) : () -> ()
    "tpu.region"() ({
      %run_scoped3A = tpu.sem_alloc : memref<!tpu.dma_semaphore, #tpu.memory_space<semaphore_mem>>
      %dma_start3A = arith.constant 0 : i32
      %dma_start3A_15 = tpu.memref_slice %arg3[%mul3A_2, %dma_start3A] : memref<2560x128xi32, #tpu.memory_space<hbm>> -> memref<80x128xi32, #tpu.memory_space<hbm>>
      %dma_start3A_16 = arith.constant 0 : i32
      %dma_start3A_17 = tpu.memref_slice %arg3[%mul3A_2, %dma_start3A_16] : memref<2560x128xi32, #tpu.memory_space<hbm>> -> memref<80x128xi32, #tpu.memory_space<hbm>>
      tpu.enqueue_dma source(%dma_start3A_17 : memref<80x128xi32, #tpu.memory_space<hbm>>) target(%arg13 : memref<80x128xi32, #tpu.memory_space<vmem>>) target_semaphore(%run_scoped3A : memref<!tpu.dma_semaphore, #tpu.memory_space<semaphore_mem>>)
      %dma_wait3A = arith.constant 0 : i32
      %dma_wait3A_18 = tpu.memref_slice %arg3[%mul3A_2, %dma_wait3A] : memref<2560x128xi32, #tpu.memory_space<hbm>> -> memref<80x128xi32, #tpu.memory_space<hbm>>
      %dma_wait3A_19 = arith.constant 0 : i32
      %dma_wait3A_20 = tpu.memref_slice %arg3[%mul3A_2, %dma_wait3A_19] : memref<2560x128xi32, #tpu.memory_space<hbm>> -> memref<80x128xi32, #tpu.memory_space<hbm>>
      tpu.wait_dma2 semaphore(%run_scoped3A : memref<!tpu.dma_semaphore, #tpu.memory_space<semaphore_mem>>) src(%dma_wait3A_20 : memref<80x128xi32, #tpu.memory_space<hbm>>) dst(%arg13 : memref<80x128xi32, #tpu.memory_space<vmem>>)
      tpu.yield
    }) : () -> ()
    %get3A = arith.constant 0 : index
    %get3A_5 = tpu.vector_load %arg11[%get3A] {strides = array<i32>} : memref<16xf32, #tpu.memory_space<vmem>>, vector<16xf32>,
    %scan3A = arith.constant 0 : i32
    %scan3A_6 = arith.constant 80 : i32
    %scan3A_7 = arith.addi %scan3A, %scan3A_6 : i32
    %scan3A_8 = arith.constant 1 : i32
    scf.for %scan3A_15 = %scan3A to %scan3A_7 step %scan3A_8  : i32 {
      %mul3A_16 = arith.constant 1 : i32
      %mul3A_17 = arith.muli %scan3A_15, %mul3A_16 : i32
      %add3A_18 = arith.constant 0 : i32
      %add3A_19 = arith.addi %add3A_18, %mul3A_17 : i32
      %parallel_loop3A = arith.constant 0 : i32
      %parallel_loop3A_20 = arith.constant 128 : i32
      %parallel_loop3A_21 = arith.constant 16 : i32
      scf.for %parallel_loop3A_22 = %parallel_loop3A to %parallel_loop3A_20 step %parallel_loop3A_21  : i32 {
        %parallel_loop3A_23 = arith.index_cast %add3A_19 : i32 to index
        %parallel_loop3A_24 = arith.index_cast %parallel_loop3A_22 : i32 to index
        %parallel_loop3A_25 = tpu.vector_load %arg12[%parallel_loop3A_23, %parallel_loop3A_24] {strides = array<i32>} : memref<80x128xi32, #tpu.memory_space<vmem>>, vector<16xi32>,
        %parallel_loop3A_26 = arith.index_cast %add3A_19 : i32 to index
        %parallel_loop3A_27 = arith.index_cast %parallel_loop3A_22 : i32 to index
        %parallel_loop3A_28 = tpu.vector_load %arg13[%parallel_loop3A_26, %parallel_loop3A_27] {strides = array<i32>} : memref<80x128xi32, #tpu.memory_space<vmem>>, vector<16xi32>,
        %parallel_loop3A_29 = tpu.vector_load_idx %arg9[%parallel_loop3A_25] : memref<10240xf32, #tpu.memory_space<vmem>>[vector<16xi32>], vector<16xf32>,
        %parallel_loop3A_30 = tpu.vector_load_idx %arg10[%parallel_loop3A_28] : memref<10240xf32, #tpu.memory_space<vmem>>[vector<16xi32>], vector<16xf32>,
        %parallel_loop3A_31 = arith.addf %parallel_loop3A_29, %parallel_loop3A_30 : vector<16xf32>
        %parallel_loop3A_32 = arith.constant 0.000000e+00 : f32
        %parallel_loop3A_33 = vector.broadcast %parallel_loop3A_32 : f32 to vector<16xf32>
        %parallel_loop3A_34 = arith.cmpf ogt, %parallel_loop3A_31, %parallel_loop3A_33 : vector<16xf32>
        %parallel_loop3A_35 = arith.constant 0.00999999977 : f32
        %parallel_loop3A_36 = vector.broadcast %parallel_loop3A_35 : f32 to vector<16xf32>
        %parallel_loop3A_37 = arith.mulf %parallel_loop3A_36, %parallel_loop3A_31 : vector<16xf32>
        %parallel_loop3A_38 = arith.select %parallel_loop3A_34, %parallel_loop3A_31, %parallel_loop3A_37 : vector<16xi1>, vector<16xf32>
        %parallel_loop3A_39 = arith.subf %parallel_loop3A_38, %get3A_5 : vector<16xf32>
        %parallel_loop3A_40 = math.exp %parallel_loop3A_39 : vector<16xf32>
        %parallel_loop3A_41 = arith.constant 128 : i32
        %parallel_loop3A_42 = arith.muli %add3A_19, %parallel_loop3A_41 : i32
        %parallel_loop3A_43 = arith.addi %parallel_loop3A_42, %parallel_loop3A_22 : i32
        %parallel_loop3A_44 = arith.index_cast %parallel_loop3A_43 : i32 to index
        %parallel_loop3A_45 = tpu.vector_load %arg15[%parallel_loop3A_44] {strides = array<i32>} : memref<10240xf32, #tpu.memory_space<vmem>>, vector<16xf32>,
        tpu.vector_store %arg15[%parallel_loop3A_44], %parallel_loop3A_40 {strides = array<i32>} : memref<10240xf32, #tpu.memory_space<vmem>>, vector<16xf32>,
      } {sc.loop_unroll_factor = 2 : i64, sc.parallel_access}
    }
    %scan3A_9 = arith.constant 80 : i32
    %scan3A_10 = arith.constant 0 : i32
    %scan3A_11 = arith.constant 5 : i32
    %scan3A_12 = arith.addi %scan3A_10, %scan3A_11 : i32
    %scan3A_13 = arith.constant 1 : i32
    scf.for %scan3A_15 = %scan3A_10 to %scan3A_12 step %scan3A_13  : i32 {
      %mul3A_16 = arith.constant 1 : i32
      %mul3A_17 = arith.muli %scan3A_15, %mul3A_16 : i32
      %add3A_18 = arith.constant 0 : i32
      %add3A_19 = arith.addi %add3A_18, %mul3A_17 : i32
      %scan3A_20 = arith.constant 0 : i32
      %scan3A_21 = arith.constant 640 : i32
      %scan3A_22 = arith.addi %scan3A_20, %scan3A_21 : i32
      %scan3A_23 = arith.constant 1 : i32
      scf.for %scan3A_70 = %scan3A_20 to %scan3A_22 step %scan3A_23  : i32 {
        %mul3A_71 = arith.constant 1 : i32
        %mul3A_72 = arith.muli %scan3A_70, %mul3A_71 : i32
        %add3A_73 = arith.constant 0 : i32
        %add3A_74 = arith.addi %add3A_73, %mul3A_72 : i32
        %broadcast_in_dim3A = arith.constant 0.000000e+00 : f32
        %broadcast_in_dim3A_75 = vector.broadcast %broadcast_in_dim3A : f32 to vector<16xf32>
        %swap3A = arith.index_cast %add3A_74 : i32 to index
        %swap3A_76 = arith.constant 0 : index
        %swap3A_77 = tpu.vector_load %arg16[%swap3A, %swap3A_76] {strides = array<i32>} : memref<1024x32xf32, #tpu.memory_space<vmem>>, vector<16xf32>,
        tpu.vector_store %arg16[%swap3A, %swap3A_76], %broadcast_in_dim3A_75 {strides = array<i32>} : memref<1024x32xf32, #tpu.memory_space<vmem>>, vector<16xf32>,
        %broadcast_in_dim3A_78 = arith.constant 0.000000e+00 : f32
        %broadcast_in_dim3A_79 = vector.broadcast %broadcast_in_dim3A_78 : f32 to vector<16xf32>
        %swap3A_80 = arith.index_cast %add3A_74 : i32 to index
        %swap3A_81 = arith.constant 16 : index
        %swap3A_82 = tpu.vector_load %arg16[%swap3A_80, %swap3A_81] {strides = array<i32>} : memref<1024x32xf32, #tpu.memory_space<vmem>>, vector<16xf32>,
        tpu.vector_store %arg16[%swap3A_80, %swap3A_81], %broadcast_in_dim3A_79 {strides = array<i32>} : memref<1024x32xf32, #tpu.memory_space<vmem>>, vector<16xf32>,
      }
      %scan3A_24 = arith.constant 640 : i32
      "tpu.region"() ({
        %run_scoped3A = tpu.sem_alloc : memref<!tpu.dma_semaphore, #tpu.memory_space<semaphore_mem>>
        %dma_start3A = arith.constant 0 : i32
        %dma_start3A_70 = arith.constant 0 : i32
        %dma_start3A_71 = tpu.memref_slice %arg16[%dma_start3A, %dma_start3A_70] : memref<1024x32xf32, #tpu.memory_space<vmem>> -> memref<640x32xf32, #tpu.memory_space<vmem>>
        %dma_start3A_72 = arith.constant 0 : i32
        %dma_start3A_73 = tpu.memref_slice %arg17[%mul3A_4, %dma_start3A_72] : memref<10240x32xf32, #tpu.memory_space<vmem_shared>> -> memref<640x32xf32, #tpu.memory_space<vmem_shared>>
        %dma_start3A_74 = arith.constant 0 : i32
        %dma_start3A_75 = tpu.memref_slice %arg17[%mul3A_4, %dma_start3A_74] : memref<10240x32xf32, #tpu.memory_space<vmem_shared>> -> memref<640x32xf32, #tpu.memory_space<vmem_shared>>
        %dma_start3A_76 = arith.constant 0 : i32
        %dma_start3A_77 = arith.constant 0 : i32
        %dma_start3A_78 = tpu.memref_slice %arg16[%dma_start3A_76, %dma_start3A_77] : memref<1024x32xf32, #tpu.memory_space<vmem>> -> memref<640x32xf32, #tpu.memory_space<vmem>>
        tpu.enqueue_dma source(%dma_start3A_78 : memref<640x32xf32, #tpu.memory_space<vmem>>) target(%dma_start3A_75 : memref<640x32xf32, #tpu.memory_space<vmem_shared>>) target_semaphore(%run_scoped3A : memref<!tpu.dma_semaphore, #tpu.memory_space<semaphore_mem>>)
        %dma_wait3A_79 = arith.constant 0 : i32
        %dma_wait3A_80 = arith.constant 0 : i32
        %dma_wait3A_81 = tpu.memref_slice %arg16[%dma_wait3A_79, %dma_wait3A_80] : memref<1024x32xf32, #tpu.memory_space<vmem>> -> memref<640x32xf32, #tpu.memory_space<vmem>>
        %dma_wait3A_82 = arith.constant 0 : i32
        %dma_wait3A_83 = tpu.memref_slice %arg17[%mul3A_4, %dma_wait3A_82] : memref<10240x32xf32, #tpu.memory_space<vmem_shared>> -> memref<640x32xf32, #tpu.memory_space<vmem_shared>>
        %dma_wait3A_84 = arith.constant 0 : i32
        %dma_wait3A_85 = tpu.memref_slice %arg17[%mul3A_4, %dma_wait3A_84] : memref<10240x32xf32, #tpu.memory_space<vmem_shared>> -> memref<640x32xf32, #tpu.memory_space<vmem_shared>>
        %dma_wait3A_86 = arith.constant 0 : i32
        %dma_wait3A_87 = arith.constant 0 : i32
        %dma_wait3A_88 = tpu.memref_slice %arg16[%dma_wait3A_86, %dma_wait3A_87] : memref<1024x32xf32, #tpu.memory_space<vmem>> -> memref<640x32xf32, #tpu.memory_space<vmem>>
        tpu.wait_dma2 semaphore(%run_scoped3A : memref<!tpu.dma_semaphore, #tpu.memory_space<semaphore_mem>>) src(%dma_wait3A_88 : memref<640x32xf32, #tpu.memory_space<vmem>>) dst(%dma_wait3A_85 : memref<640x32xf32, #tpu.memory_space<vmem_shared>>)
        tpu.yield
      }) : () -> ()
      %barrier3A = arith.constant 0 : index
      tpu.barrier barrier_id(%barrier3A)
      %scan3A_25 = arith.constant 0 : i32
      %scan3A_26 = arith.constant 21 : i32
      %scan3A_27 = arith.addi %scan3A_25, %scan3A_26 : i32
      %scan3A_28 = arith.constant 1 : i32
      scf.for %scan3A_70 = %scan3A_25 to %scan3A_27 step %scan3A_28  : i32 {
        %mul3A_71 = arith.constant 1 : i32
        %mul3A_72 = arith.muli %scan3A_70, %mul3A_71 : i32
        %add3A_73 = arith.constant 0 : i32
        %add3A_74 = arith.addi %add3A_73, %mul3A_72 : i32
        %jit3A = arith.constant 2 : i32
        %eq3A = arith.constant 0 : i32
        %eq3A_75 = arith.cmpi eq, %jit3A, %eq3A : i32
        %jit3A_76 = arith.constant 1 : i32
        %select_n3A = arith.select %eq3A_75, %jit3A_76, %jit3A : i32
        %rem3A = arith.remsi %add3A_74, %select_n3A : i32
        %ne3A = arith.constant 0 : i32
        %ne3A_77 = arith.cmpi ne, %rem3A, %ne3A : i32
        %lt3A = arith.constant 0 : i32
        %lt3A_78 = arith.cmpi slt, %rem3A, %lt3A : i32
        %lt3A_79 = arith.constant 0 : i32
        %lt3A_80 = arith.cmpi slt, %select_n3A, %lt3A_79 : i32
        %ne3A_81 = arith.xori %lt3A_78, %lt3A_80 : i1
        %and3A = arith.andi %ne3A_81, %ne3A_77 : i1
        %add3A_82 = arith.addi %rem3A, %select_n3A : i32
        %select_n3A_83 = arith.select %and3A, %add3A_82, %rem3A : i32
        %sub3A = arith.constant 1 : i32
        %sub3A_84 = arith.subi %sub3A, %select_n3A_83 : i32
        %ge3A = arith.constant 2 : i32
        %ge3A_85 = arith.cmpi sge, %add3A_74, %ge3A : i32
        %convert_element_type3A = arith.extui %ge3A_85 : i1 to i32
        %cond3A = arith.constant 0 : i32
        %cond3A_86 = arith.cmpi ne, %convert_element_type3A, %cond3A : i32
        scf.if %cond3A_86 {
          %sub3A_97 = arith.constant 2 : i32
          %sub3A_98 = arith.subi %add3A_74, %sub3A_97 : i32
          %mul3A_99 = arith.constant 512 : i32
          %mul3A_100 = arith.muli %select_n3A_83, %mul3A_99 : i32
          %add3A_101 = arith.constant 0 : i32
          %add3A_102 = arith.addi %mul3A_100, %add3A_101 : i32
          %mul3A_103 = arith.constant 4 : i32
          %mul3A_104 = arith.muli %sub3A_98, %mul3A_103 : i32
          %add3A_105 = arith.constant 0 : i32
          %add3A_106 = arith.addi %mul3A_104, %add3A_105 : i32
          %dma_wait3A_107 = arith.constant 0 : i32
          %dma_wait3A_108 = tpu.memref_slice %arg16[%add3A_102, %dma_wait3A_107] : memref<1024x32xf32, #tpu.memory_space<vmem>> -> memref<128x32xf32, #tpu.memory_space<vmem>>
          %dma_wait3A_109 = arith.constant 0 : i32
          %dma_wait3A_110 = tpu.memref_slice %arg12[%add3A_106, %dma_wait3A_109] : memref<80x128xi32, #tpu.memory_space<vmem>> -> memref<1x128xi32, #tpu.memory_space<vmem>>
          %dma_wait3A_111 = tpu.memref_squeeze %dma_wait3A_110 : memref<1x128xi32, #tpu.memory_space<vmem>> -> memref<128xi32, #tpu.memory_space<vmem>>
          %dma_wait3A_112 = arith.constant 0 : i32
          %dma_wait3A_113 = arith.constant 0 : i32
          %dma_wait3A_114 = tpu.memref_slice %arg17[%dma_wait3A_112, %dma_wait3A_113] : memref<10240x32xf32, #tpu.memory_space<vmem_shared>> -> memref<10240x32xf32, #tpu.memory_space<vmem_shared>>
          tpu.wait_indirect_dma semaphore(%arg19 : memref<!tpu.dma_semaphore, #tpu.memory_space<semaphore_mem>>) src(%dma_wait3A_108 : memref<128x32xf32, #tpu.memory_space<vmem>>) dst(%dma_wait3A_114 : memref<10240x32xf32, #tpu.memory_space<vmem_shared>>)
          %mul3A_115 = arith.constant 512 : i32
          %mul3A_116 = arith.muli %select_n3A_83, %mul3A_115 : i32
          %add3A_117 = arith.constant 128 : i32
          %add3A_118 = arith.addi %mul3A_116, %add3A_117 : i32
          %mul3A_119 = arith.constant 4 : i32
          %mul3A_120 = arith.muli %sub3A_98, %mul3A_119 : i32
          %add3A_121 = arith.constant 1 : i32
          %add3A_122 = arith.addi %mul3A_120, %add3A_121 : i32
          %dma_wait3A_123 = arith.constant 0 : i32
          %dma_wait3A_124 = tpu.memref_slice %arg16[%add3A_118, %dma_wait3A_123] : memref<1024x32xf32, #tpu.memory_space<vmem>> -> memref<128x32xf32, #tpu.memory_space<vmem>>
          %dma_wait3A_125 = arith.constant 0 : i32
          %dma_wait3A_126 = tpu.memref_slice %arg12[%add3A_122, %dma_wait3A_125] : memref<80x128xi32, #tpu.memory_space<vmem>> -> memref<1x128xi32, #tpu.memory_space<vmem>>
          %dma_wait3A_127 = tpu.memref_squeeze %dma_wait3A_126 : memref<1x128xi32, #tpu.memory_space<vmem>> -> memref<128xi32, #tpu.memory_space<vmem>>
          %dma_wait3A_128 = arith.constant 0 : i32
          %dma_wait3A_129 = arith.constant 0 : i32
          %dma_wait3A_130 = tpu.memref_slice %arg17[%dma_wait3A_128, %dma_wait3A_129] : memref<10240x32xf32, #tpu.memory_space<vmem_shared>> -> memref<10240x32xf32, #tpu.memory_space<vmem_shared>>
          tpu.wait_indirect_dma semaphore(%arg19 : memref<!tpu.dma_semaphore, #tpu.memory_space<semaphore_mem>>) src(%dma_wait3A_124 : memref<128x32xf32, #tpu.memory_space<vmem>>) dst(%dma_wait3A_130 : memref<10240x32xf32, #tpu.memory_space<vmem_shared>>)
          %mul3A_131 = arith.constant 512 : i32
          %mul3A_132 = arith.muli %select_n3A_83, %mul3A_131 : i32
          %add3A_133 = arith.constant 256 : i32
          %add3A_134 = arith.addi %mul3A_132, %add3A_133 : i32
          %mul3A_135 = arith.constant 4 : i32
          %mul3A_136 = arith.muli %sub3A_98, %mul3A_135 : i32
          %add3A_137 = arith.constant 2 : i32
          %add3A_138 = arith.addi %mul3A_136, %add3A_137 : i32
          %dma_wait3A_139 = arith.constant 0 : i32
          %dma_wait3A_140 = tpu.memref_slice %arg16[%add3A_134, %dma_wait3A_139] : memref<1024x32xf32, #tpu.memory_space<vmem>> -> memref<128x32xf32, #tpu.memory_space<vmem>>
          %dma_wait3A_141 = arith.constant 0 : i32
          %dma_wait3A_142 = tpu.memref_slice %arg12[%add3A_138, %dma_wait3A_141] : memref<80x128xi32, #tpu.memory_space<vmem>> -> memref<1x128xi32, #tpu.memory_space<vmem>>
          %dma_wait3A_143 = tpu.memref_squeeze %dma_wait3A_142 : memref<1x128xi32, #tpu.memory_space<vmem>> -> memref<128xi32, #tpu.memory_space<vmem>>
          %dma_wait3A_144 = arith.constant 0 : i32
          %dma_wait3A_145 = arith.constant 0 : i32
          %dma_wait3A_146 = tpu.memref_slice %arg17[%dma_wait3A_144, %dma_wait3A_145] : memref<10240x32xf32, #tpu.memory_space<vmem_shared>> -> memref<10240x32xf32, #tpu.memory_space<vmem_shared>>
          tpu.wait_indirect_dma semaphore(%arg19 : memref<!tpu.dma_semaphore, #tpu.memory_space<semaphore_mem>>) src(%dma_wait3A_140 : memref<128x32xf32, #tpu.memory_space<vmem>>) dst(%dma_wait3A_146 : memref<10240x32xf32, #tpu.memory_space<vmem_shared>>)
          %mul3A_147 = arith.constant 512 : i32
          %mul3A_148 = arith.muli %select_n3A_83, %mul3A_147 : i32
          %add3A_149 = arith.constant 384 : i32
          %add3A_150 = arith.addi %mul3A_148, %add3A_149 : i32
          %mul3A_151 = arith.constant 4 : i32
          %mul3A_152 = arith.muli %sub3A_98, %mul3A_151 : i32
          %add3A_153 = arith.constant 3 : i32
          %add3A_154 = arith.addi %mul3A_152, %add3A_153 : i32
          %dma_wait3A_155 = arith.constant 0 : i32
          %dma_wait3A_156 = tpu.memref_slice %arg16[%add3A_150, %dma_wait3A_155] : memref<1024x32xf32, #tpu.memory_space<vmem>> -> memref<128x32xf32, #tpu.memory_space<vmem>>
          %dma_wait3A_157 = arith.constant 0 : i32
          %dma_wait3A_158 = tpu.memref_slice %arg12[%add3A_154, %dma_wait3A_157] : memref<80x128xi32, #tpu.memory_space<vmem>> -> memref<1x128xi32, #tpu.memory_space<vmem>>
          %dma_wait3A_159 = tpu.memref_squeeze %dma_wait3A_158 : memref<1x128xi32, #tpu.memory_space<vmem>> -> memref<128xi32, #tpu.memory_space<vmem>>
          %dma_wait3A_160 = arith.constant 0 : i32
          %dma_wait3A_161 = arith.constant 0 : i32
          %dma_wait3A_162 = tpu.memref_slice %arg17[%dma_wait3A_160, %dma_wait3A_161] : memref<10240x32xf32, #tpu.memory_space<vmem_shared>> -> memref<10240x32xf32, #tpu.memory_space<vmem_shared>>
          tpu.wait_indirect_dma semaphore(%arg19 : memref<!tpu.dma_semaphore, #tpu.memory_space<semaphore_mem>>) src(%dma_wait3A_156 : memref<128x32xf32, #tpu.memory_space<vmem>>) dst(%dma_wait3A_162 : memref<10240x32xf32, #tpu.memory_space<vmem_shared>>)
        } else {
        }
        %lt3A_87 = arith.constant 20 : i32
        %lt3A_88 = arith.cmpi slt, %add3A_74, %lt3A_87 : i32
        %convert_element_type3A_89 = arith.extui %lt3A_88 : i1 to i32
        %cond3A_90 = arith.constant 0 : i32
        %cond3A_91 = arith.cmpi ne, %convert_element_type3A_89, %cond3A_90 : i32
        scf.if %cond3A_91 {
          %parallel_loop3A = arith.constant 0 : i32
          %parallel_loop3A_97 = arith.constant 128 : i32
          %parallel_loop3A_98 = arith.constant 16 : i32
          scf.for %parallel_loop3A_171 = %parallel_loop3A to %parallel_loop3A_97 step %parallel_loop3A_98  : i32 {
            %parallel_loop3A_172 = arith.constant 4 : i32
            %parallel_loop3A_173 = arith.muli %add3A_74, %parallel_loop3A_172 : i32
            %parallel_loop3A_174 = arith.constant 0 : i32
            %parallel_loop3A_175 = arith.addi %parallel_loop3A_173, %parallel_loop3A_174 : i32
            %parallel_loop3A_176 = arith.index_cast %parallel_loop3A_175 : i32 to index
            %parallel_loop3A_177 = arith.index_cast %parallel_loop3A_171 : i32 to index
            %parallel_loop3A_178 = tpu.vector_load %arg13[%parallel_loop3A_176, %parallel_loop3A_177] {strides = array<i32>} : memref<80x128xi32, #tpu.memory_space<vmem>>, vector<16xi32>,
            %parallel_loop3A_179 = arith.constant 5 : i32
            %parallel_loop3A_180 = vector.broadcast %parallel_loop3A_179 : i32 to vector<16xi32>
            %parallel_loop3A_181 = arith.muli %parallel_loop3A_178, %parallel_loop3A_180 : vector<16xi32>
            %parallel_loop3A_182 = vector.broadcast %add3A_19 : i32 to vector<16xi32>
            %parallel_loop3A_183 = arith.addi %parallel_loop3A_181, %parallel_loop3A_182 : vector<16xi32>
            %parallel_loop3A_184 = arith.constant 4 : i32
            %parallel_loop3A_185 = arith.muli %select_n3A_83, %parallel_loop3A_184 : i32
            %parallel_loop3A_186 = arith.constant 0 : i32
            %parallel_loop3A_187 = arith.addi %parallel_loop3A_185, %parallel_loop3A_186 : i32
            %parallel_loop3A_188 = arith.index_cast %parallel_loop3A_187 : i32 to index
            %parallel_loop3A_189 = arith.index_cast %parallel_loop3A_171 : i32 to index
            %parallel_loop3A_190 = tpu.vector_load %arg14[%parallel_loop3A_188, %parallel_loop3A_189] {strides = array<i32>} : memref<8x128xi32, #tpu.memory_space<vmem>>, vector<16xi32>,
            tpu.vector_store %arg14[%parallel_loop3A_188, %parallel_loop3A_189], %parallel_loop3A_183 {strides = array<i32>} : memref<8x128xi32, #tpu.memory_space<vmem>>, vector<16xi32>,
          } {sc.loop_unroll_factor = 2 : i64, sc.parallel_access}
          %parallel_loop3A_99 = arith.constant 0 : i32
          %parallel_loop3A_100 = arith.constant 128 : i32
          %parallel_loop3A_101 = arith.constant 16 : i32
          scf.for %parallel_loop3A_171 = %parallel_loop3A_99 to %parallel_loop3A_100 step %parallel_loop3A_101  : i32 {
            %parallel_loop3A_172 = arith.constant 4 : i32
            %parallel_loop3A_173 = arith.muli %add3A_74, %parallel_loop3A_172 : i32
            %parallel_loop3A_174 = arith.constant 1 : i32
            %parallel_loop3A_175 = arith.addi %parallel_loop3A_173, %parallel_loop3A_174 : i32
            %parallel_loop3A_176 = arith.index_cast %parallel_loop3A_175 : i32 to index
            %parallel_loop3A_177 = arith.index_cast %parallel_loop3A_171 : i32 to index
            %parallel_loop3A_178 = tpu.vector_load %arg13[%parallel_loop3A_176, %parallel_loop3A_177] {strides = array<i32>} : memref<80x128xi32, #tpu.memory_space<vmem>>, vector<16xi32>,
            %parallel_loop3A_179 = arith.constant 5 : i32
            %parallel_loop3A_180 = vector.broadcast %parallel_loop3A_179 : i32 to vector<16xi32>
            %parallel_loop3A_181 = arith.muli %parallel_loop3A_178, %parallel_loop3A_180 : vector<16xi32>
            %parallel_loop3A_182 = vector.broadcast %add3A_19 : i32 to vector<16xi32>
            %parallel_loop3A_183 = arith.addi %parallel_loop3A_181, %parallel_loop3A_182 : vector<16xi32>
            %parallel_loop3A_184 = arith.constant 4 : i32
            %parallel_loop3A_185 = arith.muli %select_n3A_83, %parallel_loop3A_184 : i32
            %parallel_loop3A_186 = arith.constant 1 : i32
            %parallel_loop3A_187 = arith.addi %parallel_loop3A_185, %parallel_loop3A_186 : i32
            %parallel_loop3A_188 = arith.index_cast %parallel_loop3A_187 : i32 to index
            %parallel_loop3A_189 = arith.index_cast %parallel_loop3A_171 : i32 to index
            %parallel_loop3A_190 = tpu.vector_load %arg14[%parallel_loop3A_188, %parallel_loop3A_189] {strides = array<i32>} : memref<8x128xi32, #tpu.memory_space<vmem>>, vector<16xi32>,
            tpu.vector_store %arg14[%parallel_loop3A_188, %parallel_loop3A_189], %parallel_loop3A_183 {strides = array<i32>} : memref<8x128xi32, #tpu.memory_space<vmem>>, vector<16xi32>,
          } {sc.loop_unroll_factor = 2 : i64, sc.parallel_access}
          %parallel_loop3A_102 = arith.constant 0 : i32
          %parallel_loop3A_103 = arith.constant 128 : i32
          %parallel_loop3A_104 = arith.constant 16 : i32
          scf.for %parallel_loop3A_171 = %parallel_loop3A_102 to %parallel_loop3A_103 step %parallel_loop3A_104  : i32 {
            %parallel_loop3A_172 = arith.constant 4 : i32
            %parallel_loop3A_173 = arith.muli %add3A_74, %parallel_loop3A_172 : i32
            %parallel_loop3A_174 = arith.constant 2 : i32
            %parallel_loop3A_175 = arith.addi %parallel_loop3A_173, %parallel_loop3A_174 : i32
            %parallel_loop3A_176 = arith.index_cast %parallel_loop3A_175 : i32 to index
            %parallel_loop3A_177 = arith.index_cast %parallel_loop3A_171 : i32 to index
            %parallel_loop3A_178 = tpu.vector_load %arg13[%parallel_loop3A_176, %parallel_loop3A_177] {strides = array<i32>} : memref<80x128xi32, #tpu.memory_space<vmem>>, vector<16xi32>,
            %parallel_loop3A_179 = arith.constant 5 : i32
            %parallel_loop3A_180 = vector.broadcast %parallel_loop3A_179 : i32 to vector<16xi32>
            %parallel_loop3A_181 = arith.muli %parallel_loop3A_178, %parallel_loop3A_180 : vector<16xi32>
            %parallel_loop3A_182 = vector.broadcast %add3A_19 : i32 to vector<16xi32>
            %parallel_loop3A_183 = arith.addi %parallel_loop3A_181, %parallel_loop3A_182 : vector<16xi32>
            %parallel_loop3A_184 = arith.constant 4 : i32
            %parallel_loop3A_185 = arith.muli %select_n3A_83, %parallel_loop3A_184 : i32
            %parallel_loop3A_186 = arith.constant 2 : i32
            %parallel_loop3A_187 = arith.addi %parallel_loop3A_185, %parallel_loop3A_186 : i32
            %parallel_loop3A_188 = arith.index_cast %parallel_loop3A_187 : i32 to index
            %parallel_loop3A_189 = arith.index_cast %parallel_loop3A_171 : i32 to index
            %parallel_loop3A_190 = tpu.vector_load %arg14[%parallel_loop3A_188, %parallel_loop3A_189] {strides = array<i32>} : memref<8x128xi32, #tpu.memory_space<vmem>>, vector<16xi32>,
            tpu.vector_store %arg14[%parallel_loop3A_188, %parallel_loop3A_189], %parallel_loop3A_183 {strides = array<i32>} : memref<8x128xi32, #tpu.memory_space<vmem>>, vector<16xi32>,
          } {sc.loop_unroll_factor = 2 : i64, sc.parallel_access}
          %parallel_loop3A_105 = arith.constant 0 : i32
          %parallel_loop3A_106 = arith.constant 128 : i32
          %parallel_loop3A_107 = arith.constant 16 : i32
          scf.for %parallel_loop3A_171 = %parallel_loop3A_105 to %parallel_loop3A_106 step %parallel_loop3A_107  : i32 {
            %parallel_loop3A_172 = arith.constant 4 : i32
            %parallel_loop3A_173 = arith.muli %add3A_74, %parallel_loop3A_172 : i32
            %parallel_loop3A_174 = arith.constant 3 : i32
            %parallel_loop3A_175 = arith.addi %parallel_loop3A_173, %parallel_loop3A_174 : i32
            %parallel_loop3A_176 = arith.index_cast %parallel_loop3A_175 : i32 to index
            %parallel_loop3A_177 = arith.index_cast %parallel_loop3A_171 : i32 to index
            %parallel_loop3A_178 = tpu.vector_load %arg13[%parallel_loop3A_176, %parallel_loop3A_177] {strides = array<i32>} : memref<80x128xi32, #tpu.memory_space<vmem>>, vector<16xi32>,
            %parallel_loop3A_179 = arith.constant 5 : i32
            %parallel_loop3A_180 = vector.broadcast %parallel_loop3A_179 : i32 to vector<16xi32>
            %parallel_loop3A_181 = arith.muli %parallel_loop3A_178, %parallel_loop3A_180 : vector<16xi32>
            %parallel_loop3A_182 = vector.broadcast %add3A_19 : i32 to vector<16xi32>
            %parallel_loop3A_183 = arith.addi %parallel_loop3A_181, %parallel_loop3A_182 : vector<16xi32>
            %parallel_loop3A_184 = arith.constant 4 : i32
            %parallel_loop3A_185 = arith.muli %select_n3A_83, %parallel_loop3A_184 : i32
            %parallel_loop3A_186 = arith.constant 3 : i32
            %parallel_loop3A_187 = arith.addi %parallel_loop3A_185, %parallel_loop3A_186 : i32
            %parallel_loop3A_188 = arith.index_cast %parallel_loop3A_187 : i32 to index
            %parallel_loop3A_189 = arith.index_cast %parallel_loop3A_171 : i32 to index
            %parallel_loop3A_190 = tpu.vector_load %arg14[%parallel_loop3A_188, %parallel_loop3A_189] {strides = array<i32>} : memref<8x128xi32, #tpu.memory_space<vmem>>, vector<16xi32>,
            tpu.vector_store %arg14[%parallel_loop3A_188, %parallel_loop3A_189], %parallel_loop3A_183 {strides = array<i32>} : memref<8x128xi32, #tpu.memory_space<vmem>>, vector<16xi32>,
          } {sc.loop_unroll_factor = 2 : i64, sc.parallel_access}
          %mul3A_108 = arith.constant 4 : i32
          %mul3A_109 = arith.muli %select_n3A_83, %mul3A_108 : i32
          %add3A_110 = arith.constant 0 : i32
          %add3A_111 = arith.addi %mul3A_109, %add3A_110 : i32
          %mul3A_112 = arith.constant 512 : i32
          %mul3A_113 = arith.muli %select_n3A_83, %mul3A_112 : i32
          %add3A_114 = arith.constant 0 : i32
          %add3A_115 = arith.addi %mul3A_113, %add3A_114 : i32
          %dma_start3A = arith.constant 0 : i32
          %dma_start3A_116 = tpu.memref_slice %arg16[%add3A_115, %dma_start3A] : memref<1024x32xf32, #tpu.memory_space<vmem>> -> memref<128x32xf32, #tpu.memory_space<vmem>>
          %dma_start3A_117 = arith.constant 0 : i32
          %dma_start3A_118 = tpu.memref_slice %arg14[%add3A_111, %dma_start3A_117] : memref<8x128xi32, #tpu.memory_space<vmem>> -> memref<1x128xi32, #tpu.memory_space<vmem>>
          %dma_start3A_119 = tpu.memref_squeeze %dma_start3A_118 : memref<1x128xi32, #tpu.memory_space<vmem>> -> memref<128xi32, #tpu.memory_space<vmem>>
          %dma_start3A_120 = arith.constant 0 : i32
          %dma_start3A_121 = arith.constant 0 : i32
          %dma_start3A_122 = tpu.memref_slice %arg7[%dma_start3A_120, %dma_start3A_121] : memref<50000x32xf32, #tpu.memory_space<hbm>> -> memref<50000x32xf32, #tpu.memory_space<hbm>>
          tpu.enqueue_indirect_dma source(%dma_start3A_122 : memref<50000x32xf32, #tpu.memory_space<hbm>>) target(%dma_start3A_116 : memref<128x32xf32, #tpu.memory_space<vmem>>) offsets(%dma_start3A_119 : memref<128xi32, #tpu.memory_space<vmem>>) semaphore(%arg18 : memref<!tpu.dma_semaphore, #tpu.memory_space<semaphore_mem>>)
          %mul3A_123 = arith.constant 4 : i32
          %mul3A_124 = arith.muli %select_n3A_83, %mul3A_123 : i32
          %add3A_125 = arith.constant 1 : i32
          %add3A_126 = arith.addi %mul3A_124, %add3A_125 : i32
          %mul3A_127 = arith.constant 512 : i32
          %mul3A_128 = arith.muli %select_n3A_83, %mul3A_127 : i32
          %add3A_129 = arith.constant 128 : i32
          %add3A_130 = arith.addi %mul3A_128, %add3A_129 : i32
          %dma_start3A_131 = arith.constant 0 : i32
          %dma_start3A_132 = tpu.memref_slice %arg16[%add3A_130, %dma_start3A_131] : memref<1024x32xf32, #tpu.memory_space<vmem>> -> memref<128x32xf32, #tpu.memory_space<vmem>>
          %dma_start3A_133 = arith.constant 0 : i32
          %dma_start3A_134 = tpu.memref_slice %arg14[%add3A_126, %dma_start3A_133] : memref<8x128xi32, #tpu.memory_space<vmem>> -> memref<1x128xi32, #tpu.memory_space<vmem>>
          %dma_start3A_135 = tpu.memref_squeeze %dma_start3A_134 : memref<1x128xi32, #tpu.memory_space<vmem>> -> memref<128xi32, #tpu.memory_space<vmem>>
          %dma_start3A_136 = arith.constant 0 : i32
          %dma_start3A_137 = arith.constant 0 : i32
          %dma_start3A_138 = tpu.memref_slice %arg7[%dma_start3A_136, %dma_start3A_137] : memref<50000x32xf32, #tpu.memory_space<hbm>> -> memref<50000x32xf32, #tpu.memory_space<hbm>>
          tpu.enqueue_indirect_dma source(%dma_start3A_138 : memref<50000x32xf32, #tpu.memory_space<hbm>>) target(%dma_start3A_132 : memref<128x32xf32, #tpu.memory_space<vmem>>) offsets(%dma_start3A_135 : memref<128xi32, #tpu.memory_space<vmem>>) semaphore(%arg18 : memref<!tpu.dma_semaphore, #tpu.memory_space<semaphore_mem>>)
          %mul3A_139 = arith.constant 4 : i32
          %mul3A_140 = arith.muli %select_n3A_83, %mul3A_139 : i32
          %add3A_141 = arith.constant 2 : i32
          %add3A_142 = arith.addi %mul3A_140, %add3A_141 : i32
          %mul3A_143 = arith.constant 512 : i32
          %mul3A_144 = arith.muli %select_n3A_83, %mul3A_143 : i32
          %add3A_145 = arith.constant 256 : i32
          %add3A_146 = arith.addi %mul3A_144, %add3A_145 : i32
          %dma_start3A_147 = arith.constant 0 : i32
          %dma_start3A_148 = tpu.memref_slice %arg16[%add3A_146, %dma_start3A_147] : memref<1024x32xf32, #tpu.memory_space<vmem>> -> memref<128x32xf32, #tpu.memory_space<vmem>>
          %dma_start3A_149 = arith.constant 0 : i32
          %dma_start3A_150 = tpu.memref_slice %arg14[%add3A_142, %dma_start3A_149] : memref<8x128xi32, #tpu.memory_space<vmem>> -> memref<1x128xi32, #tpu.memory_space<vmem>>
          %dma_start3A_151 = tpu.memref_squeeze %dma_start3A_150 : memref<1x128xi32, #tpu.memory_space<vmem>> -> memref<128xi32, #tpu.memory_space<vmem>>
          %dma_start3A_152 = arith.constant 0 : i32
          %dma_start3A_153 = arith.constant 0 : i32
          %dma_start3A_154 = tpu.memref_slice %arg7[%dma_start3A_152, %dma_start3A_153] : memref<50000x32xf32, #tpu.memory_space<hbm>> -> memref<50000x32xf32, #tpu.memory_space<hbm>>
          tpu.enqueue_indirect_dma source(%dma_start3A_154 : memref<50000x32xf32, #tpu.memory_space<hbm>>) target(%dma_start3A_148 : memref<128x32xf32, #tpu.memory_space<vmem>>) offsets(%dma_start3A_151 : memref<128xi32, #tpu.memory_space<vmem>>) semaphore(%arg18 : memref<!tpu.dma_semaphore, #tpu.memory_space<semaphore_mem>>)
          %mul3A_155 = arith.constant 4 : i32
          %mul3A_156 = arith.muli %select_n3A_83, %mul3A_155 : i32
          %add3A_157 = arith.constant 3 : i32
          %add3A_158 = arith.addi %mul3A_156, %add3A_157 : i32
          %mul3A_159 = arith.constant 512 : i32
          %mul3A_160 = arith.muli %select_n3A_83, %mul3A_159 : i32
          %add3A_161 = arith.constant 384 : i32
          %add3A_162 = arith.addi %mul3A_160, %add3A_161 : i32
          %dma_start3A_163 = arith.constant 0 : i32
          %dma_start3A_164 = tpu.memref_slice %arg16[%add3A_162, %dma_start3A_163] : memref<1024x32xf32, #tpu.memory_space<vmem>> -> memref<128x32xf32, #tpu.memory_space<vmem>>
          %dma_start3A_165 = arith.constant 0 : i32
          %dma_start3A_166 = tpu.memref_slice %arg14[%add3A_158, %dma_start3A_165] : memref<8x128xi32, #tpu.memory_space<vmem>> -> memref<1x128xi32, #tpu.memory_space<vmem>>
          %dma_start3A_167 = tpu.memref_squeeze %dma_start3A_166 : memref<1x128xi32, #tpu.memory_space<vmem>> -> memref<128xi32, #tpu.memory_space<vmem>>
          %dma_start3A_168 = arith.constant 0 : i32
          %dma_start3A_169 = arith.constant 0 : i32
          %dma_start3A_170 = tpu.memref_slice %arg7[%dma_start3A_168, %dma_start3A_169] : memref<50000x32xf32, #tpu.memory_space<hbm>> -> memref<50000x32xf32, #tpu.memory_space<hbm>>
          tpu.enqueue_indirect_dma source(%dma_start3A_170 : memref<50000x32xf32, #tpu.memory_space<hbm>>) target(%dma_start3A_164 : memref<128x32xf32, #tpu.memory_space<vmem>>) offsets(%dma_start3A_167 : memref<128xi32, #tpu.memory_space<vmem>>) semaphore(%arg18 : memref<!tpu.dma_semaphore, #tpu.memory_space<semaphore_mem>>)
        } else {
        }
        %ge3A_92 = arith.constant 1 : i32
        %ge3A_93 = arith.cmpi sge, %add3A_74, %ge3A_92 : i32
        %convert_element_type3A_94 = arith.extui %ge3A_93 : i1 to i32
        %cond3A_95 = arith.constant 0 : i32
        %cond3A_96 = arith.cmpi ne, %convert_element_type3A_94, %cond3A_95 : i32
        scf.if %cond3A_96 {
          %mul3A_97 = arith.constant 4 : i32
          %mul3A_98 = arith.muli %sub3A_84, %mul3A_97 : i32
          %add3A_99 = arith.constant 0 : i32
          %add3A_100 = arith.addi %mul3A_98, %add3A_99 : i32
          %mul3A_101 = arith.constant 512 : i32
          %mul3A_102 = arith.muli %sub3A_84, %mul3A_101 : i32
          %add3A_103 = arith.constant 0 : i32
          %add3A_104 = arith.addi %mul3A_102, %add3A_103 : i32
          %dma_wait3A_105 = arith.constant 0 : i32
          %dma_wait3A_106 = tpu.memref_slice %arg16[%add3A_104, %dma_wait3A_105] : memref<1024x32xf32, #tpu.memory_space<vmem>> -> memref<128x32xf32, #tpu.memory_space<vmem>>
          %dma_wait3A_107 = arith.constant 0 : i32
          %dma_wait3A_108 = tpu.memref_slice %arg14[%add3A_100, %dma_wait3A_107] : memref<8x128xi32, #tpu.memory_space<vmem>> -> memref<1x128xi32, #tpu.memory_space<vmem>>
          %dma_wait3A_109 = tpu.memref_squeeze %dma_wait3A_108 : memref<1x128xi32, #tpu.memory_space<vmem>> -> memref<128xi32, #tpu.memory_space<vmem>>
          %dma_wait3A_110 = arith.constant 0 : i32
          %dma_wait3A_111 = arith.constant 0 : i32
          %dma_wait3A_112 = tpu.memref_slice %arg7[%dma_wait3A_110, %dma_wait3A_111] : memref<50000x32xf32, #tpu.memory_space<hbm>> -> memref<50000x32xf32, #tpu.memory_space<hbm>>
          tpu.wait_indirect_dma semaphore(%arg18 : memref<!tpu.dma_semaphore, #tpu.memory_space<semaphore_mem>>) src(%dma_wait3A_112 : memref<50000x32xf32, #tpu.memory_space<hbm>>) dst(%dma_wait3A_106 : memref<128x32xf32, #tpu.memory_space<vmem>>)
          %mul3A_113 = arith.constant 4 : i32
          %mul3A_114 = arith.muli %sub3A_84, %mul3A_113 : i32
          %add3A_115 = arith.constant 1 : i32
          %add3A_116 = arith.addi %mul3A_114, %add3A_115 : i32
          %mul3A_117 = arith.constant 512 : i32
          %mul3A_118 = arith.muli %sub3A_84, %mul3A_117 : i32
          %add3A_119 = arith.constant 128 : i32
          %add3A_120 = arith.addi %mul3A_118, %add3A_119 : i32
          %dma_wait3A_121 = arith.constant 0 : i32
          %dma_wait3A_122 = tpu.memref_slice %arg16[%add3A_120, %dma_wait3A_121] : memref<1024x32xf32, #tpu.memory_space<vmem>> -> memref<128x32xf32, #tpu.memory_space<vmem>>
          %dma_wait3A_123 = arith.constant 0 : i32
          %dma_wait3A_124 = tpu.memref_slice %arg14[%add3A_116, %dma_wait3A_123] : memref<8x128xi32, #tpu.memory_space<vmem>> -> memref<1x128xi32, #tpu.memory_space<vmem>>
          %dma_wait3A_125 = tpu.memref_squeeze %dma_wait3A_124 : memref<1x128xi32, #tpu.memory_space<vmem>> -> memref<128xi32, #tpu.memory_space<vmem>>
          %dma_wait3A_126 = arith.constant 0 : i32
          %dma_wait3A_127 = arith.constant 0 : i32
          %dma_wait3A_128 = tpu.memref_slice %arg7[%dma_wait3A_126, %dma_wait3A_127] : memref<50000x32xf32, #tpu.memory_space<hbm>> -> memref<50000x32xf32, #tpu.memory_space<hbm>>
          tpu.wait_indirect_dma semaphore(%arg18 : memref<!tpu.dma_semaphore, #tpu.memory_space<semaphore_mem>>) src(%dma_wait3A_128 : memref<50000x32xf32, #tpu.memory_space<hbm>>) dst(%dma_wait3A_122 : memref<128x32xf32, #tpu.memory_space<vmem>>)
          %mul3A_129 = arith.constant 4 : i32
          %mul3A_130 = arith.muli %sub3A_84, %mul3A_129 : i32
          %add3A_131 = arith.constant 2 : i32
          %add3A_132 = arith.addi %mul3A_130, %add3A_131 : i32
          %mul3A_133 = arith.constant 512 : i32
          %mul3A_134 = arith.muli %sub3A_84, %mul3A_133 : i32
          %add3A_135 = arith.constant 256 : i32
          %add3A_136 = arith.addi %mul3A_134, %add3A_135 : i32
          %dma_wait3A_137 = arith.constant 0 : i32
          %dma_wait3A_138 = tpu.memref_slice %arg16[%add3A_136, %dma_wait3A_137] : memref<1024x32xf32, #tpu.memory_space<vmem>> -> memref<128x32xf32, #tpu.memory_space<vmem>>
          %dma_wait3A_139 = arith.constant 0 : i32
          %dma_wait3A_140 = tpu.memref_slice %arg14[%add3A_132, %dma_wait3A_139] : memref<8x128xi32, #tpu.memory_space<vmem>> -> memref<1x128xi32, #tpu.memory_space<vmem>>
          %dma_wait3A_141 = tpu.memref_squeeze %dma_wait3A_140 : memref<1x128xi32, #tpu.memory_space<vmem>> -> memref<128xi32, #tpu.memory_space<vmem>>
          %dma_wait3A_142 = arith.constant 0 : i32
          %dma_wait3A_143 = arith.constant 0 : i32
          %dma_wait3A_144 = tpu.memref_slice %arg7[%dma_wait3A_142, %dma_wait3A_143] : memref<50000x32xf32, #tpu.memory_space<hbm>> -> memref<50000x32xf32, #tpu.memory_space<hbm>>
          tpu.wait_indirect_dma semaphore(%arg18 : memref<!tpu.dma_semaphore, #tpu.memory_space<semaphore_mem>>) src(%dma_wait3A_144 : memref<50000x32xf32, #tpu.memory_space<hbm>>) dst(%dma_wait3A_138 : memref<128x32xf32, #tpu.memory_space<vmem>>)
          %mul3A_145 = arith.constant 4 : i32
          %mul3A_146 = arith.muli %sub3A_84, %mul3A_145 : i32
          %add3A_147 = arith.constant 3 : i32
          %add3A_148 = arith.addi %mul3A_146, %add3A_147 : i32
          %mul3A_149 = arith.constant 512 : i32
          %mul3A_150 = arith.muli %sub3A_84, %mul3A_149 : i32
          %add3A_151 = arith.constant 384 : i32
          %add3A_152 = arith.addi %mul3A_150, %add3A_151 : i32
          %dma_wait3A_153 = arith.constant 0 : i32
          %dma_wait3A_154 = tpu.memref_slice %arg16[%add3A_152, %dma_wait3A_153] : memref<1024x32xf32, #tpu.memory_space<vmem>> -> memref<128x32xf32, #tpu.memory_space<vmem>>
          %dma_wait3A_155 = arith.constant 0 : i32
          %dma_wait3A_156 = tpu.memref_slice %arg14[%add3A_148, %dma_wait3A_155] : memref<8x128xi32, #tpu.memory_space<vmem>> -> memref<1x128xi32, #tpu.memory_space<vmem>>
          %dma_wait3A_157 = tpu.memref_squeeze %dma_wait3A_156 : memref<1x128xi32, #tpu.memory_space<vmem>> -> memref<128xi32, #tpu.memory_space<vmem>>
          %dma_wait3A_158 = arith.constant 0 : i32
          %dma_wait3A_159 = arith.constant 0 : i32
          %dma_wait3A_160 = tpu.memref_slice %arg7[%dma_wait3A_158, %dma_wait3A_159] : memref<50000x32xf32, #tpu.memory_space<hbm>> -> memref<50000x32xf32, #tpu.memory_space<hbm>>
          tpu.wait_indirect_dma semaphore(%arg18 : memref<!tpu.dma_semaphore, #tpu.memory_space<semaphore_mem>>) src(%dma_wait3A_160 : memref<50000x32xf32, #tpu.memory_space<hbm>>) dst(%dma_wait3A_154 : memref<128x32xf32, #tpu.memory_space<vmem>>)
          %sub3A_161 = arith.constant 1 : i32
          %sub3A_162 = arith.subi %add3A_74, %sub3A_161 : i32
          %mul3A_163 = arith.constant 512 : i32
          %mul3A_164 = arith.muli %sub3A_162, %mul3A_163 : i32
          %mul3A_165 = arith.constant 512 : i32
          %mul3A_166 = arith.muli %sub3A_84, %mul3A_165 : i32
          %parallel_loop3A = arith.constant 0 : i32
          %parallel_loop3A_167 = arith.constant 512 : i32
          %parallel_loop3A_168 = arith.constant 1 : i32
          scf.for %parallel_loop3A_234 = %parallel_loop3A to %parallel_loop3A_167 step %parallel_loop3A_168  : i32 {
            %parallel_loop3A_235 = arith.addi %mul3A_164, %parallel_loop3A_234 : i32
            %parallel_loop3A_236 = vector.broadcast %parallel_loop3A_235 : i32 to vector<16xi32>
            %parallel_loop3A_237 = tpu.vector_load_idx %arg15[%parallel_loop3A_236] : memref<10240xf32, #tpu.memory_space<vmem>>[vector<16xi32>], vector<16xf32>,
            %parallel_loop3A_238 = arith.addi %mul3A_166, %parallel_loop3A_234 : i32
            %parallel_loop3A_239 = arith.index_cast %parallel_loop3A_238 : i32 to index
            %parallel_loop3A_240 = arith.constant 0 : index
            %parallel_loop3A_241 = tpu.vector_load %arg16[%parallel_loop3A_239, %parallel_loop3A_240] {strides = array<i32>} : memref<1024x32xf32, #tpu.memory_space<vmem>>, vector<16xf32>,
            %parallel_loop3A_242 = arith.mulf %parallel_loop3A_241, %parallel_loop3A_237 : vector<16xf32>
            %parallel_loop3A_243 = arith.addi %mul3A_166, %parallel_loop3A_234 : i32
            %parallel_loop3A_244 = arith.index_cast %parallel_loop3A_243 : i32 to index
            %parallel_loop3A_245 = arith.constant 0 : index
            %parallel_loop3A_246 = tpu.vector_load %arg16[%parallel_loop3A_244, %parallel_loop3A_245] {strides = array<i32>} : memref<1024x32xf32, #tpu.memory_space<vmem>>, vector<16xf32>,
            tpu.vector_store %arg16[%parallel_loop3A_244, %parallel_loop3A_245], %parallel_loop3A_242 {strides = array<i32>} : memref<1024x32xf32, #tpu.memory_space<vmem>>, vector<16xf32>,
            %parallel_loop3A_247 = arith.addi %mul3A_166, %parallel_loop3A_234 : i32
            %parallel_loop3A_248 = arith.index_cast %parallel_loop3A_247 : i32 to index
            %parallel_loop3A_249 = arith.constant 16 : index
            %parallel_loop3A_250 = tpu.vector_load %arg16[%parallel_loop3A_248, %parallel_loop3A_249] {strides = array<i32>} : memref<1024x32xf32, #tpu.memory_space<vmem>>, vector<16xf32>,
            %parallel_loop3A_251 = arith.mulf %parallel_loop3A_250, %parallel_loop3A_237 : vector<16xf32>
            %parallel_loop3A_252 = arith.addi %mul3A_166, %parallel_loop3A_234 : i32
            %parallel_loop3A_253 = arith.index_cast %parallel_loop3A_252 : i32 to index
            %parallel_loop3A_254 = arith.constant 16 : index
            %parallel_loop3A_255 = tpu.vector_load %arg16[%parallel_loop3A_253, %parallel_loop3A_254] {strides = array<i32>} : memref<1024x32xf32, #tpu.memory_space<vmem>>, vector<16xf32>,
            tpu.vector_store %arg16[%parallel_loop3A_253, %parallel_loop3A_254], %parallel_loop3A_251 {strides = array<i32>} : memref<1024x32xf32, #tpu.memory_space<vmem>>, vector<16xf32>,
          } {sc.loop_unroll_factor = 4 : i64, sc.parallel_access}
          %sub3A_169 = arith.constant 1 : i32
          %sub3A_170 = arith.subi %add3A_74, %sub3A_169 : i32
          %mul3A_171 = arith.constant 512 : i32
          %mul3A_172 = arith.muli %sub3A_84, %mul3A_171 : i32
          %add3A_173 = arith.constant 0 : i32
          %add3A_174 = arith.addi %mul3A_172, %add3A_173 : i32
          %mul3A_175 = arith.constant 4 : i32
          %mul3A_176 = arith.muli %sub3A_170, %mul3A_175 : i32
          %add3A_177 = arith.constant 0 : i32
          %add3A_178 = arith.addi %mul3A_176, %add3A_177 : i32
          %dma_start3A = arith.constant 0 : i32
          %dma_start3A_179 = tpu.memref_slice %arg16[%add3A_174, %dma_start3A] : memref<1024x32xf32, #tpu.memory_space<vmem>> -> memref<128x32xf32, #tpu.memory_space<vmem>>
          %dma_start3A_180 = arith.constant 0 : i32
          %dma_start3A_181 = tpu.memref_slice %arg12[%add3A_178, %dma_start3A_180] : memref<80x128xi32, #tpu.memory_space<vmem>> -> memref<1x128xi32, #tpu.memory_space<vmem>>
          %dma_start3A_182 = tpu.memref_squeeze %dma_start3A_181 : memref<1x128xi32, #tpu.memory_space<vmem>> -> memref<128xi32, #tpu.memory_space<vmem>>
          %dma_start3A_183 = arith.constant 0 : i32
          %dma_start3A_184 = arith.constant 0 : i32
          %dma_start3A_185 = tpu.memref_slice %arg17[%dma_start3A_183, %dma_start3A_184] : memref<10240x32xf32, #tpu.memory_space<vmem_shared>> -> memref<10240x32xf32, #tpu.memory_space<vmem_shared>>
          tpu.enqueue_indirect_dma source(%dma_start3A_179 : memref<128x32xf32, #tpu.memory_space<vmem>>) target(%dma_start3A_185 : memref<10240x32xf32, #tpu.memory_space<vmem_shared>>) offsets(%dma_start3A_182 : memref<128xi32, #tpu.memory_space<vmem>>) semaphore(%arg19 : memref<!tpu.dma_semaphore, #tpu.memory_space<semaphore_mem>>) {add = true}
          %mul3A_186 = arith.constant 512 : i32
          %mul3A_187 = arith.muli %sub3A_84, %mul3A_186 : i32
          %add3A_188 = arith.constant 128 : i32
          %add3A_189 = arith.addi %mul3A_187, %add3A_188 : i32
          %mul3A_190 = arith.constant 4 : i32
          %mul3A_191 = arith.muli %sub3A_170, %mul3A_190 : i32
          %add3A_192 = arith.constant 1 : i32
          %add3A_193 = arith.addi %mul3A_191, %add3A_192 : i32
          %dma_start3A_194 = arith.constant 0 : i32
          %dma_start3A_195 = tpu.memref_slice %arg16[%add3A_189, %dma_start3A_194] : memref<1024x32xf32, #tpu.memory_space<vmem>> -> memref<128x32xf32, #tpu.memory_space<vmem>>
          %dma_start3A_196 = arith.constant 0 : i32
          %dma_start3A_197 = tpu.memref_slice %arg12[%add3A_193, %dma_start3A_196] : memref<80x128xi32, #tpu.memory_space<vmem>> -> memref<1x128xi32, #tpu.memory_space<vmem>>
          %dma_start3A_198 = tpu.memref_squeeze %dma_start3A_197 : memref<1x128xi32, #tpu.memory_space<vmem>> -> memref<128xi32, #tpu.memory_space<vmem>>
          %dma_start3A_199 = arith.constant 0 : i32
          %dma_start3A_200 = arith.constant 0 : i32
          %dma_start3A_201 = tpu.memref_slice %arg17[%dma_start3A_199, %dma_start3A_200] : memref<10240x32xf32, #tpu.memory_space<vmem_shared>> -> memref<10240x32xf32, #tpu.memory_space<vmem_shared>>
          tpu.enqueue_indirect_dma source(%dma_start3A_195 : memref<128x32xf32, #tpu.memory_space<vmem>>) target(%dma_start3A_201 : memref<10240x32xf32, #tpu.memory_space<vmem_shared>>) offsets(%dma_start3A_198 : memref<128xi32, #tpu.memory_space<vmem>>) semaphore(%arg19 : memref<!tpu.dma_semaphore, #tpu.memory_space<semaphore_mem>>) {add = true}
          %mul3A_202 = arith.constant 512 : i32
          %mul3A_203 = arith.muli %sub3A_84, %mul3A_202 : i32
          %add3A_204 = arith.constant 256 : i32
          %add3A_205 = arith.addi %mul3A_203, %add3A_204 : i32
          %mul3A_206 = arith.constant 4 : i32
          %mul3A_207 = arith.muli %sub3A_170, %mul3A_206 : i32
          %add3A_208 = arith.constant 2 : i32
          %add3A_209 = arith.addi %mul3A_207, %add3A_208 : i32
          %dma_start3A_210 = arith.constant 0 : i32
          %dma_start3A_211 = tpu.memref_slice %arg16[%add3A_205, %dma_start3A_210] : memref<1024x32xf32, #tpu.memory_space<vmem>> -> memref<128x32xf32, #tpu.memory_space<vmem>>
          %dma_start3A_212 = arith.constant 0 : i32
          %dma_start3A_213 = tpu.memref_slice %arg12[%add3A_209, %dma_start3A_212] : memref<80x128xi32, #tpu.memory_space<vmem>> -> memref<1x128xi32, #tpu.memory_space<vmem>>
          %dma_start3A_214 = tpu.memref_squeeze %dma_start3A_213 : memref<1x128xi32, #tpu.memory_space<vmem>> -> memref<128xi32, #tpu.memory_space<vmem>>
          %dma_start3A_215 = arith.constant 0 : i32
          %dma_start3A_216 = arith.constant 0 : i32
          %dma_start3A_217 = tpu.memref_slice %arg17[%dma_start3A_215, %dma_start3A_216] : memref<10240x32xf32, #tpu.memory_space<vmem_shared>> -> memref<10240x32xf32, #tpu.memory_space<vmem_shared>>
          tpu.enqueue_indirect_dma source(%dma_start3A_211 : memref<128x32xf32, #tpu.memory_space<vmem>>) target(%dma_start3A_217 : memref<10240x32xf32, #tpu.memory_space<vmem_shared>>) offsets(%dma_start3A_214 : memref<128xi32, #tpu.memory_space<vmem>>) semaphore(%arg19 : memref<!tpu.dma_semaphore, #tpu.memory_space<semaphore_mem>>) {add = true}
          %mul3A_218 = arith.constant 512 : i32
          %mul3A_219 = arith.muli %sub3A_84, %mul3A_218 : i32
          %add3A_220 = arith.constant 384 : i32
          %add3A_221 = arith.addi %mul3A_219, %add3A_220 : i32
          %mul3A_222 = arith.constant 4 : i32
          %mul3A_223 = arith.muli %sub3A_170, %mul3A_222 : i32
          %add3A_224 = arith.constant 3 : i32
          %add3A_225 = arith.addi %mul3A_223, %add3A_224 : i32
          %dma_start3A_226 = arith.constant 0 : i32
          %dma_start3A_227 = tpu.memref_slice %arg16[%add3A_221, %dma_start3A_226] : memref<1024x32xf32, #tpu.memory_space<vmem>> -> memref<128x32xf32, #tpu.memory_space<vmem>>
          %dma_start3A_228 = arith.constant 0 : i32
          %dma_start3A_229 = tpu.memref_slice %arg12[%add3A_225, %dma_start3A_228] : memref<80x128xi32, #tpu.memory_space<vmem>> -> memref<1x128xi32, #tpu.memory_space<vmem>>
          %dma_start3A_230 = tpu.memref_squeeze %dma_start3A_229 : memref<1x128xi32, #tpu.memory_space<vmem>> -> memref<128xi32, #tpu.memory_space<vmem>>
          %dma_start3A_231 = arith.constant 0 : i32
          %dma_start3A_232 = arith.constant 0 : i32
          %dma_start3A_233 = tpu.memref_slice %arg17[%dma_start3A_231, %dma_start3A_232] : memref<10240x32xf32, #tpu.memory_space<vmem_shared>> -> memref<10240x32xf32, #tpu.memory_space<vmem_shared>>
          tpu.enqueue_indirect_dma source(%dma_start3A_227 : memref<128x32xf32, #tpu.memory_space<vmem>>) target(%dma_start3A_233 : memref<10240x32xf32, #tpu.memory_space<vmem_shared>>) offsets(%dma_start3A_230 : memref<128xi32, #tpu.memory_space<vmem>>) semaphore(%arg19 : memref<!tpu.dma_semaphore, #tpu.memory_space<semaphore_mem>>) {add = true}
        } else {
        }
      }
      %scan3A_29 = arith.constant 21 : i32
      %dma_wait3A = arith.constant 76 : i32
      %dma_wait3A_30 = arith.constant 512 : i32
      %dma_wait3A_31 = arith.constant 0 : i32
      %dma_wait3A_32 = tpu.memref_slice %arg16[%dma_wait3A_30, %dma_wait3A_31] : memref<1024x32xf32, #tpu.memory_space<vmem>> -> memref<128x32xf32, #tpu.memory_space<vmem>>
      %dma_wait3A_33 = arith.constant 0 : i32
      %dma_wait3A_34 = tpu.memref_slice %arg12[%dma_wait3A, %dma_wait3A_33] : memref<80x128xi32, #tpu.memory_space<vmem>> -> memref<1x128xi32, #tpu.memory_space<vmem>>
      %dma_wait3A_35 = tpu.memref_squeeze %dma_wait3A_34 : memref<1x128xi32, #tpu.memory_space<vmem>> -> memref<128xi32, #tpu.memory_space<vmem>>
      %dma_wait3A_36 = arith.constant 0 : i32
      %dma_wait3A_37 = arith.constant 0 : i32
      %dma_wait3A_38 = tpu.memref_slice %arg17[%dma_wait3A_36, %dma_wait3A_37] : memref<10240x32xf32, #tpu.memory_space<vmem_shared>> -> memref<10240x32xf32, #tpu.memory_space<vmem_shared>>
      tpu.wait_indirect_dma semaphore(%arg19 : memref<!tpu.dma_semaphore, #tpu.memory_space<semaphore_mem>>) src(%dma_wait3A_32 : memref<128x32xf32, #tpu.memory_space<vmem>>) dst(%dma_wait3A_38 : memref<10240x32xf32, #tpu.memory_space<vmem_shared>>)
      %dma_wait3A_39 = arith.constant 77 : i32
      %dma_wait3A_40 = arith.constant 640 : i32
      %dma_wait3A_41 = arith.constant 0 : i32
      %dma_wait3A_42 = tpu.memref_slice %arg16[%dma_wait3A_40, %dma_wait3A_41] : memref<1024x32xf32, #tpu.memory_space<vmem>> -> memref<128x32xf32, #tpu.memory_space<vmem>>
      %dma_wait3A_43 = arith.constant 0 : i32
      %dma_wait3A_44 = tpu.memref_slice %arg12[%dma_wait3A_39, %dma_wait3A_43] : memref<80x128xi32, #tpu.memory_space<vmem>> -> memref<1x128xi32, #tpu.memory_space<vmem>>
      %dma_wait3A_45 = tpu.memref_squeeze %dma_wait3A_44 : memref<1x128xi32, #tpu.memory_space<vmem>> -> memref<128xi32, #tpu.memory_space<vmem>>
      %dma_wait3A_46 = arith.constant 0 : i32
      %dma_wait3A_47 = arith.constant 0 : i32
      %dma_wait3A_48 = tpu.memref_slice %arg17[%dma_wait3A_46, %dma_wait3A_47] : memref<10240x32xf32, #tpu.memory_space<vmem_shared>> -> memref<10240x32xf32, #tpu.memory_space<vmem_shared>>
      tpu.wait_indirect_dma semaphore(%arg19 : memref<!tpu.dma_semaphore, #tpu.memory_space<semaphore_mem>>) src(%dma_wait3A_42 : memref<128x32xf32, #tpu.memory_space<vmem>>) dst(%dma_wait3A_48 : memref<10240x32xf32, #tpu.memory_space<vmem_shared>>)
      %dma_wait3A_49 = arith.constant 78 : i32
      %dma_wait3A_50 = arith.constant 768 : i32
      %dma_wait3A_51 = arith.constant 0 : i32
      %dma_wait3A_52 = tpu.memref_slice %arg16[%dma_wait3A_50, %dma_wait3A_51] : memref<1024x32xf32, #tpu.memory_space<vmem>> -> memref<128x32xf32, #tpu.memory_space<vmem>>
      %dma_wait3A_53 = arith.constant 0 : i32
      %dma_wait3A_54 = tpu.memref_slice %arg12[%dma_wait3A_49, %dma_wait3A_53] : memref<80x128xi32, #tpu.memory_space<vmem>> -> memref<1x128xi32, #tpu.memory_space<vmem>>
      %dma_wait3A_55 = tpu.memref_squeeze %dma_wait3A_54 : memref<1x128xi32, #tpu.memory_space<vmem>> -> memref<128xi32, #tpu.memory_space<vmem>>
      %dma_wait3A_56 = arith.constant 0 : i32
      %dma_wait3A_57 = arith.constant 0 : i32
      %dma_wait3A_58 = tpu.memref_slice %arg17[%dma_wait3A_56, %dma_wait3A_57] : memref<10240x32xf32, #tpu.memory_space<vmem_shared>> -> memref<10240x32xf32, #tpu.memory_space<vmem_shared>>
      tpu.wait_indirect_dma semaphore(%arg19 : memref<!tpu.dma_semaphore, #tpu.memory_space<semaphore_mem>>) src(%dma_wait3A_52 : memref<128x32xf32, #tpu.memory_space<vmem>>) dst(%dma_wait3A_58 : memref<10240x32xf32, #tpu.memory_space<vmem_shared>>)
      %dma_wait3A_59 = arith.constant 79 : i32
      %dma_wait3A_60 = arith.constant 896 : i32
      %dma_wait3A_61 = arith.constant 0 : i32
      %dma_wait3A_62 = tpu.memref_slice %arg16[%dma_wait3A_60, %dma_wait3A_61] : memref<1024x32xf32, #tpu.memory_space<vmem>> -> memref<128x32xf32, #tpu.memory_space<vmem>>
      %dma_wait3A_63 = arith.constant 0 : i32
      %dma_wait3A_64 = tpu.memref_slice %arg12[%dma_wait3A_59, %dma_wait3A_63] : memref<80x128xi32, #tpu.memory_space<vmem>> -> memref<1x128xi32, #tpu.memory_space<vmem>>
      %dma_wait3A_65 = tpu.memref_squeeze %dma_wait3A_64 : memref<1x128xi32, #tpu.memory_space<vmem>> -> memref<128xi32, #tpu.memory_space<vmem>>
      %dma_wait3A_66 = arith.constant 0 : i32
      %dma_wait3A_67 = arith.constant 0 : i32
      %dma_wait3A_68 = tpu.memref_slice %arg17[%dma_wait3A_66, %dma_wait3A_67] : memref<10240x32xf32, #tpu.memory_space<vmem_shared>> -> memref<10240x32xf32, #tpu.memory_space<vmem_shared>>
      tpu.wait_indirect_dma semaphore(%arg19 : memref<!tpu.dma_semaphore, #tpu.memory_space<semaphore_mem>>) src(%dma_wait3A_62 : memref<128x32xf32, #tpu.memory_space<vmem>>) dst(%dma_wait3A_68 : memref<10240x32xf32, #tpu.memory_space<vmem_shared>>)
      %barrier3A_69 = arith.constant 0 : index
      tpu.barrier barrier_id(%barrier3A_69)
      "tpu.region"() ({
        %run_scoped3A = tpu.sem_alloc : memref<!tpu.dma_semaphore, #tpu.memory_space<semaphore_mem>>
        %dma_start3A = arith.constant 0 : i32
        %dma_start3A_70 = tpu.memref_slice %arg8[%arg0, %add3A_19, %mul3A_4, %dma_start3A] : memref<2x5x10240x32xf32, #tpu.memory_space<hbm>> -> memref<1x1x640x32xf32, #tpu.memory_space<hbm>>
        %dma_start3A_71 = tpu.memref_squeeze %dma_start3A_70 : memref<1x1x640x32xf32, #tpu.memory_space<hbm>> -> memref<640x32xf32, #tpu.memory_space<hbm>>
        %dma_start3A_72 = arith.constant 0 : i32
        %dma_start3A_73 = tpu.memref_slice %arg17[%mul3A_4, %dma_start3A_72] : memref<10240x32xf32, #tpu.memory_space<vmem_shared>> -> memref<640x32xf32, #tpu.memory_space<vmem_shared>>
        tpu.enqueue_dma source(%dma_start3A_73 : memref<640x32xf32, #tpu.memory_space<vmem_shared>>) target(%dma_start3A_71 : memref<640x32xf32, #tpu.memory_space<hbm>>) target_semaphore(%run_scoped3A : memref<!tpu.dma_semaphore, #tpu.memory_space<semaphore_mem>>)
        %dma_wait3A_74 = arith.constant 0 : i32
        %dma_wait3A_75 = tpu.memref_slice %arg8[%arg0, %add3A_19, %mul3A_4, %dma_wait3A_74] : memref<2x5x10240x32xf32, #tpu.memory_space<hbm>> -> memref<1x1x640x32xf32, #tpu.memory_space<hbm>>
        %dma_wait3A_76 = tpu.memref_squeeze %dma_wait3A_75 : memref<1x1x640x32xf32, #tpu.memory_space<hbm>> -> memref<640x32xf32, #tpu.memory_space<hbm>>
        %dma_wait3A_77 = arith.constant 0 : i32
        %dma_wait3A_78 = tpu.memref_slice %arg17[%mul3A_4, %dma_wait3A_77] : memref<10240x32xf32, #tpu.memory_space<vmem_shared>> -> memref<640x32xf32, #tpu.memory_space<vmem_shared>>
        tpu.wait_dma2 semaphore(%run_scoped3A : memref<!tpu.dma_semaphore, #tpu.memory_space<semaphore_mem>>) src(%dma_wait3A_78 : memref<640x32xf32, #tpu.memory_space<vmem_shared>>) dst(%dma_wait3A_76 : memref<640x32xf32, #tpu.memory_space<hbm>>)
        tpu.yield
      }) : () -> ()
    }
    %scan3A_14 = arith.constant 5 : i32
    return
  }
}

module attributes {stable_mosaic.version = 14 : i64} {
  func.func @_pre_body(%arg0: i32, %arg1: memref<1000x128xf32, #tpu.memory_space<vmem>>, %arg2: memref<128x128xf32, #tpu.memory_space<vmem>>, %arg3: memref<1x128xf32, #tpu.memory_space<vmem>>, %arg4: memref<1x128xf32, #tpu.memory_space<vmem>>, %arg5: memref<1xf32, #tpu.memory_space<smem>>, %arg6: memref<1x128xf32, #tpu.memory_space<vmem>>, %arg7: memref<1xf32, #tpu.memory_space<smem>>, %arg8: memref<1000x160xf32, #tpu.memory_space<vmem>>, %arg9: memref<1000x1xf32, #tpu.memory_space<vmem>>, %arg10: memref<1000x1xf32, #tpu.memory_space<vmem>>, %arg11: memref<16xf32, #tpu.memory_space<vmem>>, %arg12: memref<2xf32, #tpu.memory_space<smem>>) attributes {dimension_semantics = [#tpu.dimension_semantics<arbitrary>], iteration_bounds = array<i64: 10>, scalar_prefetch = 0 : i64, scratch_operands = 1 : i64, tpu.core_type = #tpu.core_type<tc>, window_params = [{transform_indices = @transform_0, window_bounds = array<i64: 1000, 128>}, {pipeline_mode = #tpu.pipeline_mode<synchronous>, transform_indices = @transform_1, window_bounds = array<i64: 128, 128>}, {pipeline_mode = #tpu.pipeline_mode<synchronous>, transform_indices = @transform_2, window_bounds = array<i64: 1, 128>}, {pipeline_mode = #tpu.pipeline_mode<synchronous>, transform_indices = @transform_3, window_bounds = array<i64: 1, 128>}, {transform_indices = @transform_4, window_bounds = array<i64: 1>}, {pipeline_mode = #tpu.pipeline_mode<synchronous>, transform_indices = @transform_5, window_bounds = array<i64: 1, 128>}, {transform_indices = @transform_6, window_bounds = array<i64: 1>}, {transform_indices = @transform_7, window_bounds = array<i64: 1000, 160>}, {transform_indices = @transform_8, window_bounds = array<i64: 1000, 1>}, {transform_indices = @transform_9, window_bounds = array<i64: 1000, 1>}, {pipeline_mode = #tpu.pipeline_mode<synchronous>, transform_indices = @transform_10, window_bounds = array<i64: 16>}]} {
    %get3A = arith.constant 0 : index
    %get3A_0 = arith.constant 0 : index
    %get3A_1 = vector.load %arg1[%get3A, %get3A_0] : memref<1000x128xf32, #tpu.memory_space<vmem>>, vector<1000x128xf32>
    %get3A_2 = arith.constant 0 : index
    %get3A_3 = arith.constant 0 : index
    %get3A_4 = vector.load %arg2[%get3A_2, %get3A_3] : memref<128x128xf32, #tpu.memory_space<vmem>>, vector<128x128xf32>
    %dot_general3A = arith.constant dense<0.000000e+00> : vector<1000x128xf32>
    %dot_general3A_5 = tpu.matmul %get3A_1, %get3A_4, %dot_general3A {dimension_numbers = #tpu.dot_dimension_numbers<[1], [0], [0], [1], [0, 0, 1, 1], [], []>, transpose_lhs_hint = false} : vector<1000x128xf32>, vector<128x128xf32>, vector<1000x128xf32> -> vector<1000x128xf32>
    %get3A_6 = arith.constant 0 : index
    %get3A_7 = arith.constant 0 : index
    %get3A_8 = vector.load %arg3[%get3A_6, %get3A_7] : memref<1x128xf32, #tpu.memory_space<vmem>>, vector<1x128xf32>
    %add3A = vector.broadcast %get3A_8 : vector<1x128xf32> to vector<1000x128xf32>
    %add3A_9 = arith.addf %dot_general3A_5, %add3A : vector<1000x128xf32>
    %iota3A = tpu.iota {dimensions = array<i32: 1>} : vector<128x160xi32>
    %iota3A_10 = tpu.iota {dimensions = array<i32: 0>} : vector<128x160xi32>
    %jit3A = arith.constant 32 : i32
    %div3A = vector.broadcast %jit3A : i32 to vector<128x160xi32>
    %div3A_11 = arith.divsi %iota3A, %div3A : vector<128x160xi32>
    %sign3A = arith.constant 0 : i32
    %sign3A_12 = vector.broadcast %sign3A : i32 to vector<128x160xi32>
    %sign3A_13 = arith.cmpi sgt, %iota3A, %sign3A_12 : vector<128x160xi32>
    %sign3A_14 = arith.extui %sign3A_13 : vector<128x160xi1> to vector<128x160xi32>
    %sign3A_15 = arith.constant 0 : i32
    %sign3A_16 = vector.broadcast %sign3A_15 : i32 to vector<128x160xi32>
    %sign3A_17 = arith.cmpi slt, %iota3A, %sign3A_16 : vector<128x160xi32>
    %sign3A_18 = arith.extui %sign3A_17 : vector<128x160xi1> to vector<128x160xi32>
    %sign3A_19 = arith.subi %sign3A_14, %sign3A_18 : vector<128x160xi32>
    %sign3A_20 = arith.constant 0 : i32
    %sign3A_21 = arith.cmpi sgt, %jit3A, %sign3A_20 : i32
    %sign3A_22 = arith.extui %sign3A_21 : i1 to i32
    %sign3A_23 = arith.constant 0 : i32
    %sign3A_24 = arith.cmpi slt, %jit3A, %sign3A_23 : i32
    %sign3A_25 = arith.extui %sign3A_24 : i1 to i32
    %sign3A_26 = arith.subi %sign3A_22, %sign3A_25 : i32
    %ne3A = vector.broadcast %sign3A_26 : i32 to vector<128x160xi32>
    %ne3A_27 = arith.cmpi ne, %sign3A_19, %ne3A : vector<128x160xi32>
    %rem3A = vector.broadcast %jit3A : i32 to vector<128x160xi32>
    %rem3A_28 = arith.remsi %iota3A, %rem3A : vector<128x160xi32>
    %ne3A_29 = arith.constant 0 : i32
    %ne3A_30 = vector.broadcast %ne3A_29 : i32 to vector<128x160xi32>
    %ne3A_31 = arith.cmpi ne, %rem3A_28, %ne3A_30 : vector<128x160xi32>
    %and3A = arith.andi %ne3A_27, %ne3A_31 : vector<128x160xi1>
    %sub3A = arith.constant 1 : i32
    %sub3A_32 = vector.broadcast %sub3A : i32 to vector<128x160xi32>
    %sub3A_33 = arith.subi %div3A_11, %sub3A_32 : vector<128x160xi32>
    %select_n3A = arith.select %and3A, %sub3A_33, %div3A_11 : vector<128x160xi1>, vector<128x160xi32>
    %jit3A_34 = arith.constant 32 : i32
    %eq3A = arith.constant 0 : i32
    %eq3A_35 = arith.cmpi eq, %jit3A_34, %eq3A : i32
    %jit3A_36 = arith.constant 1 : i32
    %select_n3A_37 = arith.select %eq3A_35, %jit3A_36, %jit3A_34 : i32
    %rem3A_38 = vector.broadcast %select_n3A_37 : i32 to vector<128x160xi32>
    %rem3A_39 = arith.remsi %iota3A, %rem3A_38 : vector<128x160xi32>
    %ne3A_40 = arith.constant 0 : i32
    %ne3A_41 = vector.broadcast %ne3A_40 : i32 to vector<128x160xi32>
    %ne3A_42 = arith.cmpi ne, %rem3A_39, %ne3A_41 : vector<128x160xi32>
    %lt3A = arith.constant 0 : i32
    %lt3A_43 = vector.broadcast %lt3A : i32 to vector<128x160xi32>
    %lt3A_44 = arith.cmpi slt, %rem3A_39, %lt3A_43 : vector<128x160xi32>
    %lt3A_45 = arith.constant 0 : i32
    %lt3A_46 = arith.cmpi slt, %select_n3A_37, %lt3A_45 : i32
    %ne3A_47 = vector.broadcast %lt3A_46 : i1 to vector<128x160xi1>
    %ne3A_48 = vector.broadcast %ne3A_47 : vector<128x160xi1> to vector<128x160xi1>
    %ne3A_49 = arith.xori %lt3A_44, %ne3A_48 : vector<128x160xi1>
    %and3A_50 = arith.andi %ne3A_49, %ne3A_42 : vector<128x160xi1>
    %add3A_51 = vector.broadcast %select_n3A_37 : i32 to vector<128x160xi32>
    %add3A_52 = arith.addi %rem3A_39, %add3A_51 : vector<128x160xi32>
    %select_n3A_53 = arith.select %and3A_50, %add3A_52, %rem3A_39 : vector<128x160xi1>, vector<128x160xi32>
    %lt3A_54 = arith.constant 128 : i32
    %lt3A_55 = vector.broadcast %lt3A_54 : i32 to vector<128x160xi32>
    %lt3A_56 = arith.cmpi slt, %iota3A, %lt3A_55 : vector<128x160xi32>
    %lt3A_57 = arith.constant 31 : i32
    %lt3A_58 = vector.broadcast %lt3A_57 : i32 to vector<128x160xi32>
    %lt3A_59 = arith.cmpi slt, %select_n3A_53, %lt3A_58 : vector<128x160xi32>
    %and3A_60 = arith.andi %lt3A_56, %lt3A_59 : vector<128x160xi1>
    %mul3A = arith.constant 31 : i32
    %mul3A_61 = vector.broadcast %mul3A : i32 to vector<128x160xi32>
    %mul3A_62 = arith.muli %select_n3A, %mul3A_61 : vector<128x160xi32>
    %add3A_63 = arith.addi %mul3A_62, %select_n3A_53 : vector<128x160xi32>
    %eq3A_64 = arith.cmpi eq, %iota3A_10, %add3A_63 : vector<128x160xi32>
    %and3A_65 = arith.andi %and3A_60, %eq3A_64 : vector<128x160xi1>
    %ge3A = arith.constant 128 : i32
    %ge3A_66 = vector.broadcast %ge3A : i32 to vector<128x160xi32>
    %ge3A_67 = arith.cmpi sge, %iota3A, %ge3A_66 : vector<128x160xi32>
    %lt3A_68 = arith.constant 132 : i32
    %lt3A_69 = vector.broadcast %lt3A_68 : i32 to vector<128x160xi32>
    %lt3A_70 = arith.cmpi slt, %iota3A, %lt3A_69 : vector<128x160xi32>
    %and3A_71 = arith.andi %ge3A_67, %lt3A_70 : vector<128x160xi1>
    %add3A_72 = arith.constant 124 : i32
    %add3A_73 = vector.broadcast %add3A_72 : i32 to vector<128x160xi32>
    %add3A_74 = arith.addi %add3A_73, %iota3A : vector<128x160xi32>
    %sub3A_75 = arith.constant 128 : i32
    %sub3A_76 = vector.broadcast %sub3A_75 : i32 to vector<128x160xi32>
    %sub3A_77 = arith.subi %add3A_74, %sub3A_76 : vector<128x160xi32>
    %eq3A_78 = arith.cmpi eq, %iota3A_10, %sub3A_77 : vector<128x160xi32>
    %and3A_79 = arith.andi %and3A_71, %eq3A_78 : vector<128x160xi1>
    %or3A = arith.ori %and3A_65, %and3A_79 : vector<128x160xi1>
    %jit3A_80 = arith.constant 1.000000e+00 : f32
    %jit3A_81 = arith.constant 0.000000e+00 : f32
    %broadcast_in_dim3A = vector.broadcast %jit3A_80 : f32 to vector<128x160xf32>
    %broadcast_in_dim3A_82 = vector.broadcast %jit3A_81 : f32 to vector<128x160xf32>
    %select_n3A_83 = arith.select %or3A, %broadcast_in_dim3A, %broadcast_in_dim3A_82 : vector<128x160xi1>, vector<128x160xf32>
    %dot_general3A_84 = arith.constant dense<0.000000e+00> : vector<1000x160xf32>
    %dot_general3A_85 = tpu.matmul %add3A_9, %select_n3A_83, %dot_general3A_84 {dimension_numbers = #tpu.dot_dimension_numbers<[1], [0], [0], [1], [0, 0, 1, 1], [], []>, precision = #tpu.contract_precision<fp32>, transpose_lhs_hint = false} : vector<1000x128xf32>, vector<128x160xf32>, vector<1000x160xf32> -> vector<1000x160xf32>
    %iota3A_86 = tpu.iota {dimensions = array<i32: 1>} : vector<1000x160xi32>
    %jit3A_87 = arith.constant 32 : i32
    %eq3A_88 = arith.constant 0 : i32
    %eq3A_89 = arith.cmpi eq, %jit3A_87, %eq3A_88 : i32
    %jit3A_90 = arith.constant 1 : i32
    %select_n3A_91 = arith.select %eq3A_89, %jit3A_90, %jit3A_87 : i32
    %rem3A_92 = vector.broadcast %select_n3A_91 : i32 to vector<1000x160xi32>
    %rem3A_93 = arith.remsi %iota3A_86, %rem3A_92 : vector<1000x160xi32>
    %ne3A_94 = arith.constant 0 : i32
    %ne3A_95 = vector.broadcast %ne3A_94 : i32 to vector<1000x160xi32>
    %ne3A_96 = arith.cmpi ne, %rem3A_93, %ne3A_95 : vector<1000x160xi32>
    %lt3A_97 = arith.constant 0 : i32
    %lt3A_98 = vector.broadcast %lt3A_97 : i32 to vector<1000x160xi32>
    %lt3A_99 = arith.cmpi slt, %rem3A_93, %lt3A_98 : vector<1000x160xi32>
    %lt3A_100 = arith.constant 0 : i32
    %lt3A_101 = arith.cmpi slt, %select_n3A_91, %lt3A_100 : i32
    %ne3A_102 = vector.broadcast %lt3A_101 : i1 to vector<1000x160xi1>
    %ne3A_103 = vector.broadcast %ne3A_102 : vector<1000x160xi1> to vector<1000x160xi1>
    %ne3A_104 = arith.xori %lt3A_99, %ne3A_103 : vector<1000x160xi1>
    %and3A_105 = arith.andi %ne3A_104, %ne3A_96 : vector<1000x160xi1>
    %add3A_106 = vector.broadcast %select_n3A_91 : i32 to vector<1000x160xi32>
    %add3A_107 = arith.addi %rem3A_93, %add3A_106 : vector<1000x160xi32>
    %select_n3A_108 = arith.select %and3A_105, %add3A_107, %rem3A_93 : vector<1000x160xi1>, vector<1000x160xi32>
    %eq3A_109 = arith.constant 31 : i32
    %eq3A_110 = vector.broadcast %eq3A_109 : i32 to vector<1000x160xi32>
    %eq3A_111 = arith.cmpi eq, %select_n3A_108, %eq3A_110 : vector<1000x160xi32>
    %jit3A_112 = arith.constant 1.000000e+00 : f32
    %jit3A_113 = arith.constant 0.000000e+00 : f32
    %broadcast_in_dim3A_114 = vector.broadcast %jit3A_112 : f32 to vector<1000x160xf32>
    %broadcast_in_dim3A_115 = vector.broadcast %jit3A_113 : f32 to vector<1000x160xf32>
    %select_n3A_116 = arith.select %eq3A_111, %broadcast_in_dim3A_114, %broadcast_in_dim3A_115 : vector<1000x160xi1>, vector<1000x160xf32>
    %add3A_117 = arith.addf %dot_general3A_85, %select_n3A_116 : vector<1000x160xf32>
    %swap3A = arith.constant 0 : index
    %swap3A_118 = arith.constant 0 : index
    %swap3A_119 = vector.load %arg8[%swap3A, %swap3A_118] : memref<1000x160xf32, #tpu.memory_space<vmem>>, vector<1000x160xf32>
    tpu.vector_store %arg8[%swap3A, %swap3A_118], %add3A_117 {strides = array<i32>} : memref<1000x160xf32, #tpu.memory_space<vmem>>, vector<1000x160xf32>,
    %get3A_120 = arith.constant 0 : index
    %get3A_121 = arith.constant 0 : index
    %get3A_122 = vector.load %arg4[%get3A_120, %get3A_121] : memref<1x128xf32, #tpu.memory_space<vmem>>, vector<1x128xf32>
    %mul3A_123 = vector.broadcast %get3A_122 : vector<1x128xf32> to vector<1000x128xf32>
    %mul3A_124 = arith.mulf %add3A_9, %mul3A_123 : vector<1000x128xf32>
    %reduce_sum3A = arith.constant dense<0.000000e+00> : vector<1000xf32>
    %reduce_sum3A_125 = vector.multi_reduction <add>, %mul3A_124, %reduce_sum3A [1] : vector<1000x128xf32> to vector<1000xf32>
    %broadcast_in_dim3A_126 = vector.shape_cast %reduce_sum3A_125 : vector<1000xf32> to vector<1000x1xf32>
    %get3A_127 = arith.constant 0 : index
    %get3A_128 = memref.load %arg5[%get3A_127] : memref<1xf32, #tpu.memory_space<smem>>
    %add3A_129 = vector.broadcast %get3A_128 : f32 to vector<1000x1xf32>
    %add3A_130 = arith.addf %broadcast_in_dim3A_126, %add3A_129 : vector<1000x1xf32>
    %get3A_131 = arith.constant 0 : index
    %get3A_132 = arith.constant 0 : index
    %get3A_133 = vector.load %arg6[%get3A_131, %get3A_132] : memref<1x128xf32, #tpu.memory_space<vmem>>, vector<1x128xf32>
    %mul3A_134 = vector.broadcast %get3A_133 : vector<1x128xf32> to vector<1000x128xf32>
    %mul3A_135 = arith.mulf %add3A_9, %mul3A_134 : vector<1000x128xf32>
    %reduce_sum3A_136 = arith.constant dense<0.000000e+00> : vector<1000xf32>
    %reduce_sum3A_137 = vector.multi_reduction <add>, %mul3A_135, %reduce_sum3A_136 [1] : vector<1000x128xf32> to vector<1000xf32>
    %broadcast_in_dim3A_138 = vector.shape_cast %reduce_sum3A_137 : vector<1000xf32> to vector<1000x1xf32>
    %get3A_139 = arith.constant 0 : index
    %get3A_140 = memref.load %arg7[%get3A_139] : memref<1xf32, #tpu.memory_space<smem>>
    %add3A_141 = vector.broadcast %get3A_140 : f32 to vector<1000x1xf32>
    %add3A_142 = arith.addf %broadcast_in_dim3A_138, %add3A_141 : vector<1000x1xf32>
    %swap3A_143 = arith.constant 0 : index
    %swap3A_144 = arith.constant 0 : index
    %swap3A_145 = vector.load %arg9[%swap3A_143, %swap3A_144] : memref<1000x1xf32, #tpu.memory_space<vmem>>, vector<1000x1xf32>
    tpu.vector_store %arg9[%swap3A_143, %swap3A_144], %add3A_130 {strides = array<i32>} : memref<1000x1xf32, #tpu.memory_space<vmem>>, vector<1000x1xf32>,
    %swap3A_146 = arith.constant 0 : index
    %swap3A_147 = arith.constant 0 : index
    %swap3A_148 = vector.load %arg10[%swap3A_146, %swap3A_147] : memref<1000x1xf32, #tpu.memory_space<vmem>>, vector<1000x1xf32>
    tpu.vector_store %arg10[%swap3A_146, %swap3A_147], %add3A_142 {strides = array<i32>} : memref<1000x1xf32, #tpu.memory_space<vmem>>, vector<1000x1xf32>,
    %reduce_max3A = vector.shape_cast %add3A_130 : vector<1000x1xf32> to vector<1x1000x1xf32>
    %reduce_max3A_149 = arith.constant dense<0xFF800000> : vector<1xf32>
    %reduce_max3A_150 = vector.multi_reduction <maximumf>, %reduce_max3A, %reduce_max3A_149 [1, 2] : vector<1x1000x1xf32> to vector<1xf32>
    %reduce_max3A_151 = vector.shape_cast %reduce_max3A_150 : vector<1xf32> to vector<1x1x1xf32>
    %reduce_max3A_152 = vector.extract %reduce_max3A_151[0, 0, 0] : f32 from vector<1x1x1xf32>
    %reduce_max3A_153 = vector.shape_cast %add3A_142 : vector<1000x1xf32> to vector<1x1000x1xf32>
    %reduce_max3A_154 = arith.constant dense<0xFF800000> : vector<1xf32>
    %reduce_max3A_155 = vector.multi_reduction <maximumf>, %reduce_max3A_153, %reduce_max3A_154 [1, 2] : vector<1x1000x1xf32> to vector<1xf32>
    %reduce_max3A_156 = vector.shape_cast %reduce_max3A_155 : vector<1xf32> to vector<1x1x1xf32>
    %reduce_max3A_157 = vector.extract %reduce_max3A_156[0, 0, 0] : f32 from vector<1x1x1xf32>
    %eq3A_158 = arith.constant 0 : i32
    %eq3A_159 = arith.cmpi eq, %arg0, %eq3A_158 : i32
    %convert_element_type3A = arith.extui %eq3A_159 : i1 to i32
    %cond3A = arith.constant 0 : i32
    %cond3A_160 = arith.cmpi ne, %convert_element_type3A, %cond3A : i32
    scf.if %cond3A_160 {
      %swap3A_174 = arith.constant 0 : index
      %swap3A_175 = memref.load %arg12[%swap3A_174] : memref<2xf32, #tpu.memory_space<smem>>
      memref.store %reduce_max3A_152, %arg12[%swap3A_174] : memref<2xf32, #tpu.memory_space<smem>>
      %swap3A_176 = arith.constant 1 : index
      %swap3A_177 = memref.load %arg12[%swap3A_176] : memref<2xf32, #tpu.memory_space<smem>>
      memref.store %reduce_max3A_157, %arg12[%swap3A_176] : memref<2xf32, #tpu.memory_space<smem>>
    } else {
    }
    %gt3A = arith.constant 0 : i32
    %gt3A_161 = arith.cmpi sgt, %arg0, %gt3A : i32
    %convert_element_type3A_162 = arith.extui %gt3A_161 : i1 to i32
    %cond3A_163 = arith.constant 0 : i32
    %cond3A_164 = arith.cmpi ne, %convert_element_type3A_162, %cond3A_163 : i32
    scf.if %cond3A_164 {
      %get3A_174 = arith.constant 0 : index
      %get3A_175 = memref.load %arg12[%get3A_174] : memref<2xf32, #tpu.memory_space<smem>>
      %max3A_176 = arith.maximumf %get3A_175, %reduce_max3A_152 : f32
      %swap3A_177 = arith.constant 0 : index
      %swap3A_178 = memref.load %arg12[%swap3A_177] : memref<2xf32, #tpu.memory_space<smem>>
      memref.store %max3A_176, %arg12[%swap3A_177] : memref<2xf32, #tpu.memory_space<smem>>
      %get3A_179 = arith.constant 1 : index
      %get3A_180 = memref.load %arg12[%get3A_179] : memref<2xf32, #tpu.memory_space<smem>>
      %max3A_181 = arith.maximumf %get3A_180, %reduce_max3A_157 : f32
      %swap3A_182 = arith.constant 1 : index
      %swap3A_183 = memref.load %arg12[%swap3A_182] : memref<2xf32, #tpu.memory_space<smem>>
      memref.store %max3A_181, %arg12[%swap3A_182] : memref<2xf32, #tpu.memory_space<smem>>
    } else {
    }
    %get3A_165 = arith.constant 0 : index
    %get3A_166 = memref.load %arg12[%get3A_165] : memref<2xf32, #tpu.memory_space<smem>>
    %get3A_167 = arith.constant 1 : index
    %get3A_168 = memref.load %arg12[%get3A_167] : memref<2xf32, #tpu.memory_space<smem>>
    %add3A_169 = arith.addf %get3A_166, %get3A_168 : f32
    %max3A = arith.constant 0.000000e+00 : f32
    %max3A_170 = arith.maximumf %add3A_169, %max3A : f32
    %broadcast_in_dim3A_171 = vector.broadcast %max3A_170 : f32 to vector<16xf32>
    %swap3A_172 = arith.constant 0 : index
    %swap3A_173 = vector.load %arg11[%swap3A_172] : memref<16xf32, #tpu.memory_space<vmem>>, vector<16xf32>
    tpu.vector_store %arg11[%swap3A_172], %broadcast_in_dim3A_171 {strides = array<i32>} : memref<16xf32, #tpu.memory_space<vmem>>, vector<16xf32>,
    return
  }
  func.func @transform_0(%arg0: i32) -> (i32, i32) {
    %c0_i32 = arith.constant 0 : i32
    %c0_i32_0 = arith.constant 0 : i32
    return %arg0, %c0_i32 : i32, i32
  }
  func.func @transform_1(%arg0: i32) -> (i32, i32) {
    %c0_i32 = arith.constant 0 : i32
    %c0_i32_0 = arith.constant 0 : i32
    %c0_i32_1 = arith.constant 0 : i32
    return %c0_i32, %c0_i32_0 : i32, i32
  }
  func.func @transform_2(%arg0: i32) -> (i32, i32) {
    %c0_i32 = arith.constant 0 : i32
    %c0_i32_0 = arith.constant 0 : i32
    %c0_i32_1 = arith.constant 0 : i32
    return %c0_i32, %c0_i32_0 : i32, i32
  }
  func.func @transform_3(%arg0: i32) -> (i32, i32) {
    %c0_i32 = arith.constant 0 : i32
    %c0_i32_0 = arith.constant 0 : i32
    %c0_i32_1 = arith.constant 0 : i32
    return %c0_i32, %c0_i32_0 : i32, i32
  }
  func.func @transform_4(%arg0: i32) -> i32 {
    %c0_i32 = arith.constant 0 : i32
    %c0_i32_0 = arith.constant 0 : i32
    return %c0_i32 : i32
  }
  func.func @transform_5(%arg0: i32) -> (i32, i32) {
    %c0_i32 = arith.constant 0 : i32
    %c0_i32_0 = arith.constant 0 : i32
    %c0_i32_1 = arith.constant 0 : i32
    return %c0_i32, %c0_i32_0 : i32, i32
  }
  func.func @transform_6(%arg0: i32) -> i32 {
    %c0_i32 = arith.constant 0 : i32
    %c0_i32_0 = arith.constant 0 : i32
    return %c0_i32 : i32
  }
  func.func @transform_7(%arg0: i32) -> (i32, i32) {
    %c0_i32 = arith.constant 0 : i32
    %c0_i32_0 = arith.constant 0 : i32
    return %arg0, %c0_i32 : i32, i32
  }
  func.func @transform_8(%arg0: i32) -> (i32, i32) {
    %c0_i32 = arith.constant 0 : i32
    %c0_i32_0 = arith.constant 0 : i32
    return %arg0, %c0_i32 : i32, i32
  }
  func.func @transform_9(%arg0: i32) -> (i32, i32) {
    %c0_i32 = arith.constant 0 : i32
    %c0_i32_0 = arith.constant 0 : i32
    return %arg0, %c0_i32 : i32, i32
  }
  func.func @transform_10(%arg0: i32) -> i32 {
    %c0_i32 = arith.constant 0 : i32
    %c0_i32_0 = arith.constant 0 : i32
    return %c0_i32 : i32
  }
}

module attributes {stable_mosaic.version = 14 : i64} {
  func.func @_post_body(%arg0: i32, %arg1: memref<2x5x1000x32xf32, #tpu.memory_space<vmem>>, %arg2: memref<1000x128xf32, #tpu.memory_space<vmem>>) attributes {dimension_semantics = [#tpu.dimension_semantics<arbitrary>], iteration_bounds = array<i64: 10>, scalar_prefetch = 0 : i64, scratch_operands = 0 : i64, tpu.core_type = #tpu.core_type<tc>, window_params = [{transform_indices = @transform_0, window_bounds = array<i64: 2, 5, 1000, 32>}, {transform_indices = @transform_1, window_bounds = array<i64: 1000, 128>}]} {
    %get3A = arith.constant 0 : index
    %get3A_0 = arith.constant 0 : index
    %get3A_1 = arith.constant 0 : index
    %get3A_2 = arith.constant 0 : index
    %get3A_3 = vector.load %arg1[%get3A, %get3A_0, %get3A_1, %get3A_2] : memref<2x5x1000x32xf32, #tpu.memory_space<vmem>>, vector<1x1x1000x32xf32>
    %get3A_4 = vector.shape_cast %get3A_3 : vector<1x1x1000x32xf32> to vector<1000x32xf32>
    %get3A_5 = arith.constant 1 : index
    %get3A_6 = arith.constant 0 : index
    %get3A_7 = arith.constant 0 : index
    %get3A_8 = arith.constant 0 : index
    %get3A_9 = vector.load %arg1[%get3A_5, %get3A_6, %get3A_7, %get3A_8] : memref<2x5x1000x32xf32, #tpu.memory_space<vmem>>, vector<1x1x1000x32xf32>
    %get3A_10 = vector.shape_cast %get3A_9 : vector<1x1x1000x32xf32> to vector<1000x32xf32>
    %add3A = arith.addf %get3A_4, %get3A_10 : vector<1000x32xf32>
    %slice3A = vector.extract_strided_slice %add3A {offsets = [0, 31], sizes = [1000, 1], strides = [1, 1]} : vector<1000x32xf32> to vector<1000x1xf32>
    %slice3A_11 = vector.extract_strided_slice %add3A {offsets = [0, 0], sizes = [1000, 31], strides = [1, 1]} : vector<1000x32xf32> to vector<1000x31xf32>
    %get3A_12 = arith.constant 0 : index
    %get3A_13 = arith.constant 1 : index
    %get3A_14 = arith.constant 0 : index
    %get3A_15 = arith.constant 0 : index
    %get3A_16 = vector.load %arg1[%get3A_12, %get3A_13, %get3A_14, %get3A_15] : memref<2x5x1000x32xf32, #tpu.memory_space<vmem>>, vector<1x1x1000x32xf32>
    %get3A_17 = vector.shape_cast %get3A_16 : vector<1x1x1000x32xf32> to vector<1000x32xf32>
    %get3A_18 = arith.constant 1 : index
    %get3A_19 = arith.constant 1 : index
    %get3A_20 = arith.constant 0 : index
    %get3A_21 = arith.constant 0 : index
    %get3A_22 = vector.load %arg1[%get3A_18, %get3A_19, %get3A_20, %get3A_21] : memref<2x5x1000x32xf32, #tpu.memory_space<vmem>>, vector<1x1x1000x32xf32>
    %get3A_23 = vector.shape_cast %get3A_22 : vector<1x1x1000x32xf32> to vector<1000x32xf32>
    %add3A_24 = arith.addf %get3A_17, %get3A_23 : vector<1000x32xf32>
    %slice3A_25 = vector.extract_strided_slice %add3A_24 {offsets = [0, 0], sizes = [1000, 31], strides = [1, 1]} : vector<1000x32xf32> to vector<1000x31xf32>
    %get3A_26 = arith.constant 0 : index
    %get3A_27 = arith.constant 2 : index
    %get3A_28 = arith.constant 0 : index
    %get3A_29 = arith.constant 0 : index
    %get3A_30 = vector.load %arg1[%get3A_26, %get3A_27, %get3A_28, %get3A_29] : memref<2x5x1000x32xf32, #tpu.memory_space<vmem>>, vector<1x1x1000x32xf32>
    %get3A_31 = vector.shape_cast %get3A_30 : vector<1x1x1000x32xf32> to vector<1000x32xf32>
    %get3A_32 = arith.constant 1 : index
    %get3A_33 = arith.constant 2 : index
    %get3A_34 = arith.constant 0 : index
    %get3A_35 = arith.constant 0 : index
    %get3A_36 = vector.load %arg1[%get3A_32, %get3A_33, %get3A_34, %get3A_35] : memref<2x5x1000x32xf32, #tpu.memory_space<vmem>>, vector<1x1x1000x32xf32>
    %get3A_37 = vector.shape_cast %get3A_36 : vector<1x1x1000x32xf32> to vector<1000x32xf32>
    %add3A_38 = arith.addf %get3A_31, %get3A_37 : vector<1000x32xf32>
    %slice3A_39 = vector.extract_strided_slice %add3A_38 {offsets = [0, 0], sizes = [1000, 31], strides = [1, 1]} : vector<1000x32xf32> to vector<1000x31xf32>
    %get3A_40 = arith.constant 0 : index
    %get3A_41 = arith.constant 3 : index
    %get3A_42 = arith.constant 0 : index
    %get3A_43 = arith.constant 0 : index
    %get3A_44 = vector.load %arg1[%get3A_40, %get3A_41, %get3A_42, %get3A_43] : memref<2x5x1000x32xf32, #tpu.memory_space<vmem>>, vector<1x1x1000x32xf32>
    %get3A_45 = vector.shape_cast %get3A_44 : vector<1x1x1000x32xf32> to vector<1000x32xf32>
    %get3A_46 = arith.constant 1 : index
    %get3A_47 = arith.constant 3 : index
    %get3A_48 = arith.constant 0 : index
    %get3A_49 = arith.constant 0 : index
    %get3A_50 = vector.load %arg1[%get3A_46, %get3A_47, %get3A_48, %get3A_49] : memref<2x5x1000x32xf32, #tpu.memory_space<vmem>>, vector<1x1x1000x32xf32>
    %get3A_51 = vector.shape_cast %get3A_50 : vector<1x1x1000x32xf32> to vector<1000x32xf32>
    %add3A_52 = arith.addf %get3A_45, %get3A_51 : vector<1000x32xf32>
    %slice3A_53 = vector.extract_strided_slice %add3A_52 {offsets = [0, 0], sizes = [1000, 31], strides = [1, 1]} : vector<1000x32xf32> to vector<1000x31xf32>
    %get3A_54 = arith.constant 0 : index
    %get3A_55 = arith.constant 4 : index
    %get3A_56 = arith.constant 0 : index
    %get3A_57 = arith.constant 0 : index
    %get3A_58 = vector.load %arg1[%get3A_54, %get3A_55, %get3A_56, %get3A_57] : memref<2x5x1000x32xf32, #tpu.memory_space<vmem>>, vector<1x1x1000x32xf32>
    %get3A_59 = vector.shape_cast %get3A_58 : vector<1x1x1000x32xf32> to vector<1000x32xf32>
    %get3A_60 = arith.constant 1 : index
    %get3A_61 = arith.constant 4 : index
    %get3A_62 = arith.constant 0 : index
    %get3A_63 = arith.constant 0 : index
    %get3A_64 = vector.load %arg1[%get3A_60, %get3A_61, %get3A_62, %get3A_63] : memref<2x5x1000x32xf32, #tpu.memory_space<vmem>>, vector<1x1x1000x32xf32>
    %get3A_65 = vector.shape_cast %get3A_64 : vector<1x1x1000x32xf32> to vector<1000x32xf32>
    %add3A_66 = arith.addf %get3A_59, %get3A_65 : vector<1000x32xf32>
    %slice3A_67 = vector.extract_strided_slice %add3A_66 {offsets = [0, 0], sizes = [1000, 4], strides = [1, 1]} : vector<1000x32xf32> to vector<1000x4xf32>
    %concatenate3A = tpu.concatenate %slice3A_11, %slice3A_25, %slice3A_39, %slice3A_53, %slice3A_67 in 1 : vector<1000x31xf32>, vector<1000x31xf32>, vector<1000x31xf32>, vector<1000x31xf32>, vector<1000x4xf32> -> vector<1000x128xf32>
    %gt3A = arith.constant 0.000000e+00 : f32
    %gt3A_68 = vector.broadcast %gt3A : f32 to vector<1000x1xf32>
    %gt3A_69 = arith.cmpf ogt, %slice3A, %gt3A_68 : vector<1000x1xf32>
    %div3A = vector.broadcast %slice3A : vector<1000x1xf32> to vector<1000x128xf32>
    %div3A_70 = arith.divf %concatenate3A, %div3A : vector<1000x128xf32>
    %jit3A = arith.constant 0.000000e+00 : f32
    %broadcast_in_dim3A = vector.shape_cast %gt3A_69 : vector<1000x1xi1> to vector<1000x1xi1>
    %broadcast_in_dim3A_71 = vector.broadcast %broadcast_in_dim3A : vector<1000x1xi1> to vector<1000x128xi1>
    %broadcast_in_dim3A_72 = vector.broadcast %jit3A : f32 to vector<1000x128xf32>
    %select_n3A = arith.select %broadcast_in_dim3A_71, %div3A_70, %broadcast_in_dim3A_72 : vector<1000x128xi1>, vector<1000x128xf32>
    %swap3A = arith.constant 0 : index
    %swap3A_73 = arith.constant 0 : index
    %swap3A_74 = vector.load %arg2[%swap3A, %swap3A_73] : memref<1000x128xf32, #tpu.memory_space<vmem>>, vector<1000x128xf32>
    tpu.vector_store %arg2[%swap3A, %swap3A_73], %select_n3A {strides = array<i32>} : memref<1000x128xf32, #tpu.memory_space<vmem>>, vector<1000x128xf32>,
    return
  }
  func.func @transform_0(%arg0: i32) -> (i32, i32, i32, i32) {
    %c0_i32 = arith.constant 0 : i32
    %c0_i32_0 = arith.constant 0 : i32
    %c0_i32_1 = arith.constant 0 : i32
    %c0_i32_2 = arith.constant 0 : i32
    return %c0_i32, %c0_i32_0, %arg0, %c0_i32_1 : i32, i32, i32, i32
  }
  func.func @transform_1(%arg0: i32) -> (i32, i32) {
    %c0_i32 = arith.constant 0 : i32
    %c0_i32_0 = arith.constant 0 : i32
    return %arg0, %c0_i32 : i32, i32
  }
}

</mosaic_0001>

<sc_bundles>
// kernel: kernel.5.cloned.1.call-start
scs
__scs_entry_jumppad:
0x0: {  	(pc) =	sbr.rel $0x88, $3  }
0x1: {  	(tag) =	ssettag $0x0;
	lr =	simm.s32 $0x1  }
0x2: {  	[smem:$0x3F99] =	sst lr;
	_ =	strace $0xD0000000  }
0x3: {  	_ = 	snop  }
0x4: {  	_ = 	snop  }
0x5: {  	_ = 	snop  }
0x6: {  	_ = 	snop  }
0x7: {  	_ = 	snop  }
__scs_overlays_trampoline_lowered:
0x8: {  	[smem:$0x3FA8] =	sst s0  }
0x9: {  	[smem:$0x3FA9] =	sst s1  }
0xa: {  	[smem:$0x3FAA] =	sst s2  }
0xb: {  	[smem:$0x3FAB] =	sst s3  }
0xc: {  	[smem:$0x3FAC] =	sst s4  }
0xd: {  	[smem:$0x3FAD] =	sst s5  }
0xe: {  	[smem:$0x3FAE] =	sst s6  }
0xf: {  	[smem:$0x3FAF] =	sst s7  }
0x10: {  	[smem:$0x3FB0] =	sst s8  }
0x11: {  	[smem:$0x3FB1] =	sst s9;
	s0 =	simm.s32 @!p0 $0x0  }
0x12: {  	s1 =	sld [smem:$0x3F97];
	s0 =	simm.s32 @p0 $0x1  }
0x13: {  	[smem:$0x3FB2] =	sst s0;
	s0 =	simm.s32 @!p1 $0x0  }
0x14: {  	s2 =	sld [smem:$0x3F96];
	s0 =	simm.s32 @p1 $0x1  }
0x15: {  	[smem:$0x3FB3] =	sst s0;
	s0 =	simm.s32 @!p2 $0x0  }
0x16: {  	s3 =	sld [smem:$0x3FDB];
	s0 =	simm.s32 @p2 $0x1  }
0x17: {  	s4 =	simm.s32 $0x1BF5;
	[smem:$0x3FB5] =	sst s0  }
0x18: {  	s0 =	sld [smem:$0x3F98];
	_ =	swait.ge [sflag:s4], $0x0  }
0x19: {  	s7 =	sld [smem:$0x3F99]  }
0x1a: {  	s8 =	sadd.s32 $0xFFFFE003, lr  }
0x1b: {  	s9 =	sadd.s32 $0xFFFFFEF7, lr;
	s5 =	simm.s32 $0xFFFFFFFF;
	p2 =	slt.u32 s8, $0xFFFFF086  }
0x1c: {  	p1 =	slt.u32 s9, $0xF7A;
	s5 =	simm.s32 @!p2 $0x0  }
0x1d: {  	s5 =	simm.s32 @p1 $0x1;
	p0 =	seq.s32 s7, s2  }
0x1e: {  	s7 =	smul.u32 @!p0 $0xF7A, s2;
	p2 =	seq.s32 @!p0 s5, $0x0  }
0x1f: {  	s9 =	smul.u32 $0xF7A, s1;
	s8 =	simm.s32 @!p0 $0x1BF5;
	p2 =	por !p2, p0  }
0x20: {  	[sflag:s8] =	ssyncset.s32 @!p0 $0xFFFFF086;
	s6 =	sadd.s32 @!p0 s3, s7;
	s7 =	simm.s32 @!p0 $0x108  }
0x21: {  	s3 =	sadd.s32 s3, s9;
	s6 =	sadd.s32 @!p0 $0x88, s6;
	s7 =	simm.s32 @p2 $0x1082  }
0x22: {  	[simem:s7], [sflag:s8] =	dma.local @!p0 [hbm:s6], $0xF7A  }
0x23: {  	s9 =	sor.u32 $0xD0000000, s2;
	s6 =	simm.s32 $0x108;
	_ =	swait.ge @!p0 [sflag:s8], $0x0  }
0x24: {  	s3 =	sadd.s32 $0x88, s3;
	s6 =	simm.s32 @!p1 $0x1082;
	[sflag:s4] =	ssyncset.s32 $0xFFFFF086  }
0x25: {  	[simem:s6], [sflag:s4] =	dma.local [hbm:s3], $0xF7A  }
0x26: {  	[smem:$0x3F99] =	sst s1;
	(tag) =	ssettag s2;
	_ =	strace s9  }
0x27: {  	s1 =	sld [smem:$0x3FA9]  }
0x28: {  	s2 =	sld [smem:$0x3FAA]  }
0x29: {  	s4 =	sld [smem:$0x3FAC]  }
0x2a: {  	p0 =	seq.s32 s5, $0x0;
	s5 =	sld [smem:$0x3FAD]  }
0x2b: {  	s6 =	sld [smem:$0x3FAE]  }
0x2c: {  	s7 =	sld [smem:$0x3FAF]  }
0x2d: {  	s3 =	simm.s32 $0x108;
	s8 =	sld [smem:$0x3FB0]  }
0x2e: {  	s3 =	simm.s32 @!p0 $0x1082;
	s9 =	sld [smem:$0x3FB1]  }
0x2f: {  	lr =	sadd.s32 s0, s3;
	s0 =	sld [smem:$0x3FA8]  }
0x30: {  	s3 =	sld [smem:$0x3FAB]  }
0x31: {  	[smem:$0x3FB4] =	sst s10  }
0x32: {  	s10 =	sld [smem:$0x3FB2];
	_ =	sdelay $0x3  }
0x33: {  	p0 =	seq.s32 s10, $0x1;
	s10 =	sld [smem:$0x3FB4];
	_ =	sdelay $0x3  }
0x34: {  	[smem:$0x3FB4] =	sst s10  }
0x35: {  	s10 =	sld [smem:$0x3FB3];
	_ =	sdelay $0x3  }
0x36: {  	p1 =	seq.s32 s10, $0x1;
	s10 =	sld [smem:$0x3FB4];
	_ =	sdelay $0x3  }
0x37: {  	[smem:$0x3FB4] =	sst s10  }
0x38: {  	s10 =	sld [smem:$0x3FB5]  }
0x39: {  	_ = 	snop;
	(pc) =	sbr.ind lr, $3  }
0x3a: {  	_ = 	snop  }
0x3b: {  	_ = 	snop  }
0x3c: {  	p2 =	seq.s32 s10, $0x1;
	s10 =	sld [smem:$0x3FB4]  }
0x3d: {  	_ =	shalt  }
0x3e: {  	_ =	shalt  }
0x3f: {  	_ =	shalt  }
0x40: {  	_ =	shalt  }
0x41: {  	_ =	shalt  }
0x42: {  	_ =	shalt  }
0x43: {  	_ =	shalt  }
0x44: {  	_ =	shalt  }
0x45: {  	_ =	shalt  }
0x46: {  	_ =	shalt  }
0x47: {  	_ =	shalt  }
0x48: {  	_ =	shalt  }
0x49: {  	_ =	shalt  }
0x4a: {  	_ =	shalt  }
0x4b: {  	_ =	shalt  }
0x4c: {  	_ =	shalt  }
0x4d: {  	_ =	shalt  }
0x4e: {  	_ =	shalt  }
0x4f: {  	_ =	shalt  }
0x50: {  	_ =	shalt  }
0x51: {  	_ =	shalt  }
0x52: {  	_ =	shalt  }
0x53: {  	_ =	shalt  }
0x54: {  	_ =	shalt  }
0x55: {  	_ =	shalt  }
0x56: {  	_ =	shalt  }
0x57: {  	_ =	shalt  }
0x58: {  	_ =	shalt  }
0x59: {  	_ =	shalt  }
0x5a: {  	_ =	shalt  }
0x5b: {  	_ =	shalt  }
0x5c: {  	_ =	shalt  }
0x5d: {  	_ =	shalt  }
0x5e: {  	_ =	shalt  }
0x5f: {  	_ =	shalt  }
0x60: {  	_ =	shalt  }
0x61: {  	_ =	shalt  }
0x62: {  	_ =	shalt  }
0x63: {  	_ =	shalt  }
0x64: {  	_ =	shalt  }
0x65: {  	_ =	shalt  }
0x66: {  	_ =	shalt  }
0x67: {  	_ =	shalt  }
0x68: {  	_ =	shalt  }
0x69: {  	_ =	shalt  }
0x6a: {  	_ =	shalt  }
0x6b: {  	_ =	shalt  }
0x6c: {  	_ =	shalt  }
0x6d: {  	_ =	shalt  }
0x6e: {  	_ =	shalt  }
0x6f: {  	_ =	shalt  }
0x70: {  	_ =	shalt  }
0x71: {  	_ =	shalt  }
0x72: {  	_ =	shalt  }
0x73: {  	_ =	shalt  }
0x74: {  	_ =	shalt  }
0x75: {  	_ =	shalt  }
0x76: {  	_ =	shalt  }
0x77: {  	_ =	shalt  }
0x78: {  	_ =	shalt  }
0x79: {  	_ =	shalt  }
0x7a: {  	_ =	shalt  }
0x7b: {  	_ =	shalt  }
0x7c: {  	_ =	shalt  }
0x7d: {  	_ =	shalt  }
0x7e: {  	_ =	shalt  }
0x7f: {  	_ =	shalt  }
0x80: {  	_ =	shalt  }
0x81: {  	_ =	shalt  }
0x82: {  	_ =	shalt  }
0x83: {  	_ =	shalt  }
0x84: {  	_ =	shalt  }
0x85: {  	_ =	shalt  }
0x86: {  	_ =	shalt  }
0x87: {  	_ =	shalt  }
.Lfunc_end0:
.L_simem_size_0:
called_computation_lowered:
.L_overlay_start_0:
0x88: {  	s2 =	sld [smem:$0x3FD9]  }
0x89: {  	s3 =	sld [smem:$0x3FFE];
	_ =	sdelay $0x1  }
0x8a: {  	s1 =	srdreg.scid  }
0x8b: {  	s0 =	sand.u32 $0x1, s1  }
0x8c: {  	s17 =	sshll.u32 s0, $0xA;
	s2 =	sadd.s32 s3, s2  }
0x8d: {  	s2 =	sadd.s32 s2, s17  }
0x8e: {  	[smem:$0x3FC0] =	sst s2  }
0x8f: {  	_ = 	snop  }
0x90: {  	s2 =	sld [smem:$0x3FD0];
	(tm) =	ssettm $0x1  }
0x91: {  	s18 =	sld [smem:$0x3FFB];
	_ =	sdelay $0x3  }
0x92: {  	_ =	strace s18  }
0x93: {  	s3 =	sld [smem:$0x3FFC];
	_ =	sdelay $0x3  }
0x94: {  	_ =	strace s3  }
0x95: {  	s3 =	sld [smem:$0x3FFD];
	_ =	sdelay $0x3  }
0x96: {  	_ =	strace s3  }
0x97: {  	_ =	strace $0x8FFFFFFF  }
0x98: {  	s19 =	sld [smem:$0x3FDB];
	_ =	sdelay $0x1  }
0x99: {  	s4 =	simm.s32 $_scs_section_size  }
0x9a: {  	s5 =	simm.s32 $_size__tile_overlayer_lowered;
	s6 =	simm.s32 $_tile_overlayer_lowered  }
0x9b: {  	s22 =	simm.s32 $0x1BFF;
	s21 =	sshll.u32 s6, $0x1;
	s3 =	sadd.s32 s4, s19  }
0x9c: {  	s7 =	simm.s32 $0x0;
	s20 =	sshll.u32 s5, $0x1;
	s5 =	sadd.s32 s21, s3  }
0x9d: {  	[timem:s7], [sflag:s22] =	dma.local [hbm:s5], s20  }
0x9e: {  	_ =	swait.ge [sflag:s22], s20  }
0x9f: {  	s4 =	ssub.s32 $0x0, s20;
	[sflag:s22] =	ssyncset.done $0x0  }
0xa0: {  	[sflag:s22] =	ssyncadd.s32 s4;
	_ =	sdelay $0x1  }
0xa1: {  	s23 =	simm.s32 $0x1B8B  }
0xa2: {  	_ =	swait.ge [sflag:s23], $0x1  }
0xa3: {  	[sflag:s23] =	ssyncset.done $0x0  }
0xa4: {  	s25 =	simm.s32 $0x1B8E;
	s24 =	sld [smem:$0x3FFE];
	[sflag:s23] =	ssyncadd.s32 $0xFFFFFFFF  }
0xa5: {  	s26 =	simm.s32 $execute0_lowered;
	[smem:$0x3FD2] =	sst s25  }
0xa6: {  	s5 =	sshll.u32 s26, $0x1;
	_ =	strace $0x80000046;
	[dreg:$0x1] =	wrdreg $0xFFFFFFFF  }
0xa7: {  	s28 =	simm.s32 $_size_execute0_lowered;
	s3 =	sadd.s32 s3, s5;
	[dreg:$0x0] =	wrdreg $0x0  }
0xa8: {  	s5 =	sshll.u32 s28, $0x1;
	[dreg:$0x2] =	wrdreg s3  }
0xa9: {  	[dreg:$0x3] =	wrdreg s5  }
0xaa: {  	[dreg:$0x4] =	wrdreg $0xC0  }
0xab: {  	_ =	task [dreg:s7], $0x5FFFF  }
0xac: {  	[dreg:$0x1] =	wrdreg $0xFFFFFFFF  }
0xad: {  	[dreg:$0x0] =	wrdreg $0x60  }
0xae: {  	[dreg:$0x2] =	wrdreg s2  }
0xaf: {  	[dreg:$0x3] =	wrdreg s24  }
0xb0: {  	[dreg:$0x4] =	wrdreg $0x14C100  }
0xb1: {  	[dreg:$0x5] =	wrdreg $0x9  }
0xb2: {  	_ =	task.clear_ibuf [dreg:s7], $0x6FFFF;
	_ =	strace $0x90000046  }
0xb3: {  	s29 =	simm.s32 $0x9;
	_ =	strace $0x80000048  }
0xb4: {  	_ =	swait.ge [sflag:s29], $0x1  }
0xb5: {  	[sflag:s29] =	ssyncadd.s32 $0xFFFFFFFF  }
0xb6: {  	_ =	strace $0x90000048  }
0xb7: {  	_ =	sfence  }
0xb8: {  	s30 =	sld [smem:$0x0];
	_ =	sdelay $0x2  }
0xb9: {  	s31 =	sshll.u32 s1, $0xD;
	s1 =	sshrl.u32 s1, $0x2  }
0xba: {  	s3 =	sand.u32 $0x4000, s31;
	s1 =	sadd.s32 s1, s30  }
0xbb: {  	s0 =	sor.u32 s3, s0;
	s1 =	sshll.u32 s1, $0x11  }
0xbc: {  	s0 =	sor.u32 s1, s0  }
0xbd: {  	s0 =	sadd.s32 $0x8F2B, s0  }
0xbe: {  	[sflag:s0] =	ssyncadd.remote.s32 $0x1  }
0xbf: {  	_ =	sfence.sel $0xFFFF  }
0xc0: {  	[dreg:$0x0] =	wrdreg $0xFFFFFFFF;
	(pc) =	sbr.abs _section_cstart, $3  }
0xc1: {  	[dreg:$0x1] =	wrdreg $0xFFFFFFFF  }
0xc2: {  	_ =	task.clear_ibuf [dreg:s7], $0x2FFFF;
	_ =	strace $0x9FFFFFFF  }
0xc3: {  	(tm) =	ssettm $0x7FFFFFFF  }
tec
execute0_lowered:
.L_overlay_start_1:
0x0: {  	(tag) =	ssettag $0x1  }
0x1: {  	s1 =	rddreg [dreg:$0x0]  }
0x2: {  	s0 =	srdreg.scid;
	s2 =	rddreg [dreg:$0x1]  }
0x3: {  	s3 =	rddreg [dreg:$0x2];
	s14 =	simm.s32 $0x3;
	s15 =	simm.s32 $0x2800  }
0x4: {  	s19 =	simm.s32 $0xCC10;
	s20 =	simm.s32 $0x1;
	s21 =	simm.s32 $0xA410  }
0x5: {  	s22 =	simm.s32 $0x80;
	s23 =	simm.s32 $0x2;
	s24 =	simm.s32 $0x0  }
0x6: {  	s5 =	sand.u32 $0x1, s0;
	s0 =	stileid.u32;
	s8 =	sadd.s32 $0x31400, s2  }
0x7: {  	s28 =	sadd.s32 $0x30E00, s2;
	s29 =	sadd.s32 $0x4E200, s2;
	s4 =	sshll.u32 s5, $0x4  }
0x8: {  	s9 =	ssub.s32 $0x2, s5;
	s6 =	sor.u32 s0, s4;
	s4 =	simm.s32 $0x0  }
0x9: {  	s10 =	smul.u32 $0x5000, s0;
	s11 =	sshrl.u32 s9, $0x1;
	[smem:$0x7FF] =	sst s4  }
0xa: {  	s6 =	smul.u32 $0x500, s6;
	_ =	strace $0x80000047;
	[dreg:$0x4] =	wrdreg s8  }
.Ltmp0:
0xb: {  	s9 =	ssub.s32 s9, s11;
	[dreg:$0x5] =	wrdreg s28;
	(pc) =	sbr.rel .LBB2_1-.Ltmp0, $4  }
0xc: {  	s5 =	smul.u32 $0x190000, s5;
	[dreg:$0x6] =	wrdreg s29;
	s31 =	smax.u32 s9, $0x1  }
0xd: {  	s7 =	sadd.s32 s6, s2;
	s1 =	sadd.s32 s1, s6;
	[dreg:$0x9] =	wrdreg s31  }
0xe: {  	s11 =	sadd.s32 s10, s3;
	[dreg:$0x7] =	wrdreg s1;
	s30 =	sadd.s32 $0x31A00, s7  }
0xf: {  	v0 =	vimm.f32 $0.0e+00;
	s12 =	sadd.s32 s5, s10;
	s8 =	sadd.s32 $0x4E400, s2;
	[dreg:$0x8] =	wrdreg s30  }
.LBB2_23:
0x10: {  	s24 =	sadd.s32 $0x1, s24;
	s1 =	rddreg [dreg:$0x9]  }
0x11: {  	p0 =	sne.s32 s24, s1  }
.Ltmp1:
0x12: {  	_ = 	snop;
	(pc) =	sbr.rel @!p0 .LBB2_24-.Ltmp1, $1  }
0x13: {  	_ =	sdelay $0x3  }
.LBB2_1:
0x14: {  	s1 =	rddreg [dreg:$0x4]  }
0x15: {  	[tilespmem:s4], [sflag:$0x3] =	stream.linear.gather [hbm4b:s1+s4], $0x2800, $0x38;
	[tilespmem:$0x19C10] =	vst v63  }
0x16: {  	_ =	swait.ge [sflag:s14], $0x2800  }
0x17: {  	[sflag:s14] =	ssyncset.done $0x0  }
0x18: {  	s25 =	rddreg [dreg:$0x5];
	[sflag:s14] =	ssyncadd.s32 $0xFFFFD800  }
0x19: {  	[tilespmem:s15], [sflag:$0x3] =	stream.linear.gather [hbm4b:s25+s4], $0x2800, $0x38;
	[tilespmem:$0x19C10] =	vst v63  }
0x1a: {  	_ =	swait.ge [sflag:s14], $0x2800  }
0x1b: {  	[sflag:s14] =	ssyncset.done $0x0  }
0x1c: {  	s5 =	simm.s32 $0x5000;
	s26 =	rddreg [dreg:$0x6];
	[sflag:s14] =	ssyncadd.s32 $0xFFFFD800  }
0x1d: {  	[tilespmem:s5], [sflag:$0x3] =	stream.linear.gather [hbm4b:s26+s4], $0x10, $0x38;
	[tilespmem:$0x19C10] =	vst v63  }
0x1e: {  	_ =	swait.ge [sflag:s14], $0x10  }
0x1f: {  	[sflag:s14] =	ssyncset.done $0x0  }
0x20: {  	s29 =	simm.s32 $0x5010;
	s28 =	rddreg [dreg:$0x7];
	[sflag:s14] =	ssyncadd.s32 $0xFFFFFFF0  }
0x21: {  	[tilespmem:s29], [sflag:$0x3] =	stream.linear.gather [hbm4b:s28+s4], $0x2800, $0x38;
	[tilespmem:$0x19C10] =	vst v63  }
0x22: {  	_ =	swait.ge [sflag:s14], $0x2800  }
0x23: {  	[sflag:s14] =	ssyncset.done $0x0  }
0x24: {  	s31 =	simm.s32 $0x7810;
	s30 =	rddreg [dreg:$0x8];
	[sflag:s14] =	ssyncadd.s32 $0xFFFFD800  }
0x25: {  	[tilespmem:s31], [sflag:$0x3] =	stream.linear.gather [hbm4b:s30+s4], $0x2800, $0x38;
	[tilespmem:$0x19C10] =	vst v63  }
0x26: {  	_ =	swait.ge [sflag:s14], $0x2800  }
0x27: {  	[sflag:s14] =	ssyncset.done $0x0  }
0x28: {  	s16 =	simm.s32 $0x5020;
	[sflag:s14] =	ssyncadd.s32 $0xFFFFD800  }
0x29: {  	s17 =	simm.s32 $0xA420;
	s18 =	simm.s32 $0x0;
	s1 =	simm.s32 $0x7820;
	v1 =	vld [tilespmem:$0x5000]  }
.LBB2_2:
0x2a: {  	v2 =	vld [tilespmem:s16+$0x0]  }
0x2b: {  	v3 =	vld [tilespmem:s1+$0x0]  }
0x2c: {  	v4 =	vld [tilespmem:s1+$0xFFFFFFF0]  }
0x2d: {  	v5 =	vld [tilespmem:s16+$0xFFFFFFF0];
	_ =	sdelay $0x2  }
0x2e: {  	s5 =	sadd.s32 $0x20, s16  }
0x2f: {  	v6 =	vld [tilespmem:s5+$0x0]  }
0x30: {  	v2 =	vld.idx.msk [tilespmem:v2+s4+$0x0], $0xffff  }
0x31: {  	v3 =	vld.idx.msk [tilespmem:v3+s15+$0x0], $0xffff  }
0x32: {  	v4 =	vld.idx.msk [tilespmem:v4+s15+$0x0], $0xffff  }
0x33: {  	s6 =	sadd.s32 $0x20, s1;
	v5 =	vld.idx.msk [tilespmem:v5+s4+$0x0], $0xffff  }
0x34: {  	v7 =	vld [tilespmem:s6+$0x0]  }
0x35: {  	v8 =	vld [tilespmem:s6+$0xFFFFFFF0]  }
0x36: {  	v9 =	vld [tilespmem:s5+$0xFFFFFFF0]  }
0x37: {  	v2 =	vadd.f32 v3, v2  }
0x38: {  	v3 =	vadd.f32 v4, v5  }
0x39: {  	v4 =	vmul.f32 $9.999999770e-03, v2  }
0x3a: {  	vm0 =	vgt.f32 v2, $0.0e+00;
	v5 =	vmul.f32 $9.999999770e-03, v3  }
0x3b: {  	vm1 =	vgt.f32 v3, $0.0e+00;
	v2 =	vsel vm0, v2, v4;
	v4 =	vld.idx.msk [tilespmem:v6+s4+$0x0], $0xffff  }
0x3c: {  	v6 =	vld.idx.msk [tilespmem:v7+s15+$0x0], $0xffff;
	v3 =	vsel vm1, v3, v5;
	v2 =	vsub.f32 v2, v1  }
0x3d: {  	v5 =	vld.idx.msk [tilespmem:v8+s15+$0x0], $0xffff;
	v3 =	vsub.f32 v3, v1  }
0x3e: {  	s9 =	sadd.s32 $0x20, s5;
	v7 =	vld.idx.msk [tilespmem:v9+s4+$0x0], $0xffff;
	v2 =	vmul.f32 $1.442695020e+00, v2  }
0x3f: {  	s5 =	sadd.s32 $0x20, s6;
	v8 =	vld [tilespmem:s9+$0x0];
	v3 =	vmul.f32 $1.442695020e+00, v3  }
0x40: {  	v10 =	vld [tilespmem:s5+$0xFFFFFFF0];
	(erf) = vpow2.f32 v2  }
0x41: {  	v9 =	vld [tilespmem:s5+$0x0];
	v2 =	vadd.f32 v6, v4;
	(erf) = vpow2.f32 v3  }
0x42: {  	v11 =	vld [tilespmem:s9+$0xFFFFFFF0]  }
0x43: {  	v3 =	vmul.f32 $9.999999770e-03, v2  }
0x44: {  	v4 =	vadd.f32 v5, v7;
	vm14 =	vgt.f32 v2, $0.0e+00  }
0x45: {  	v3 =	vsel vm14, v2, v3  }
0x46: {  	v5 =	vmul.f32 $9.999999770e-03, v4;
	v7 =	vsub.f32 v3, v1  }
0x47: {  	vm15 =	vgt.f32 v4, $0.0e+00;
	v2 =	vld.idx.msk [tilespmem:v8+s4+$0x0], $0xffff  }
0x48: {  	v5 =	vsel vm15, v4, v5;
	v4 =	vld.idx.msk [tilespmem:v10+s15+$0x0], $0xffff  }
0x49: {  	v3 =	vld.idx.msk [tilespmem:v9+s15+$0x0], $0xffff;
	v6 =	vsub.f32 v5, v1;
	v5 =	vmul.f32 $1.442695020e+00, v7;
	v8 =	vpop (erf)  }
0x4a: {  	s7 =	simm.s32 $0x40;
	s6 =	smov.u32 s17;
	s9 =	sadd.s32 $0x20, s9;
	[tilespmem:s17+$0x0] =	vst v8;
	v8 =	vld.idx.msk [tilespmem:v11+s4+$0x0], $0xffff;
	v7 =	vpop (erf)  }
.LBB2_3:
0x4b: {  	v9 =	vld [tilespmem:s9+$0x0];
	s5 =	sadd.s32 $0x20, s5;
	v6 =	vmul.f32 $1.442695020e+00, v6;
	(erf) = vpow2.f32 v5;
	[tilespmem:s6+$0xFFFFFFF0] =	vst v7  }
0x4c: {  	s7 =	sadd.s32 $0x20, s7;
	v5 =	vld [tilespmem:s5+$0x0]  }
0x4d: {  	p0 =	slt.u32 s7, $0x60;
	v7 =	vld [tilespmem:s5+$0xFFFFFFF0];
	(erf) = vpow2.f32 v6  }
0x4e: {  	v2 =	vadd.f32 v3, v2;
	v10 =	vld [tilespmem:s9+$0xFFFFFFF0];
	_ =	sdelay $0x1  }
0x4f: {  	v4 =	vadd.f32 v4, v8;
	v3 =	vmul.f32 $9.999999770e-03, v2  }
0x50: {  	vm0 =	vgt.f32 v2, $0.0e+00  }
.Ltmp2:
0x51: {  	vm1 =	vgt.f32 v4, $0.0e+00;
	v6 =	vmul.f32 $9.999999770e-03, v4;
	v3 =	vsel vm0, v2, v3;
	(pc) =	sbr.rel @p0 .LBB2_3-.Ltmp2, $4  }
0x52: {  	v8 =	vsub.f32 v3, v1;
	v2 =	vld.idx.msk [tilespmem:v9+s4+$0x0], $0xffff  }
0x53: {  	s6 =	sadd.s32 $0x20, s6;
	v3 =	vld.idx.msk [tilespmem:v5+s15+$0x0], $0xffff;
	v5 =	vsel vm1, v4, v6;
	v9 =	vpop (erf)  }
0x54: {  	v4 =	vld.idx.msk [tilespmem:v7+s15+$0x0], $0xffff;
	v6 =	vsub.f32 v5, v1;
	v5 =	vmul.f32 $1.442695020e+00, v8;
	[tilespmem:s6+$0x0] =	vst v9  }
0x55: {  	s9 =	sadd.s32 $0x20, s9;
	v8 =	vld.idx.msk [tilespmem:v10+s4+$0x0], $0xffff;
	v7 =	vpop (erf)  }
0x56: {  	_ =	sdelay $0x2  }
0x57: {  	v2 =	vadd.f32 v3, v2  }
0x58: {  	v3 =	vadd.f32 v4, v8  }
0x59: {  	v62 =	vmul.f32 $9.999999770e-03, v2  }
0x5a: {  	vm0 =	vgt.f32 v2, $0.0e+00;
	v8 =	vmul.f32 $9.999999770e-03, v3  }
0x5b: {  	v2 =	vsel vm0, v2, v62;
	vm15 =	vgt.f32 v3, $0.0e+00  }
0x5c: {  	v2 =	vsub.f32 v2, v1;
	v3 =	vsel vm15, v3, v8  }
0x5d: {  	v63 =	vmul.f32 $1.442695020e+00, v6;
	v3 =	vsub.f32 v3, v1  }
0x5e: {  	(erf) = vpow2.f32 v5;
	v2 =	vmul.f32 $1.442695020e+00, v2  }
0x5f: {  	(erf) = vpow2.f32 v63;
	v3 =	vmul.f32 $1.442695020e+00, v3  }
0x60: {  	(erf) = vpow2.f32 v2  }
0x61: {  	(erf) = vpow2.f32 v3;
	_ =	sdelay $0x3  }
0x62: {  	s18 =	sadd.s32 $0x1, s18  }
0x63: {  	p0 =	sne.s32 s18, $0x50  }
.Ltmp3:
0x64: {  	[tilespmem:s6+$0xFFFFFFF0] =	vst v7;
	s5 =	sadd.s32 $0x20, s6;
	v2 =	vpop (erf);
	(pc) =	sbr.rel @p0 .LBB2_2-.Ltmp3, $4  }
.Ltmp4:
0x65: {  	[tilespmem:s5+$0x0] =	vst v2;
	v3 =	vpop (erf);
	(pc) =	sbr.rel @!p0 .LBB2_5-.Ltmp4, $4  }
0x66: {  	[tilespmem:s5+$0xFFFFFFF0] =	vst v3;
	s5 =	sadd.s32 $0x20, s5;
	v2 =	vpop (erf)  }
0x67: {  	s1 =	sadd.s32 $0x80, s1;
	[tilespmem:s5+$0x0] =	vst v2;
	v2 =	vpop (erf)  }
0x68: {  	s16 =	sadd.s32 $0x80, s16;
	s17 =	sadd.s32 $0x80, s17;
	s25 =	simm.s32 $0x0;
	[tilespmem:s5+$0xFFFFFFF0] =	vst v2  }
0x69: {  	_ = 	snop  }
.LBB2_22:
0x6a: {  	_ =	swait.ge [sflag:s23], $0x1000  }
0x6b: {  	[sflag:s23] =	ssyncset.done $0x0  }
0x6c: {  	[sflag:s23] =	ssyncadd.s32 $0xFFFFF000  }
0x6d: {  	_ =	swait.ge [sflag:s23], $0x1000  }
0x6e: {  	[sflag:s23] =	ssyncset.done $0x0  }
0x6f: {  	[sflag:s23] =	ssyncadd.s32 $0xFFFFF000  }
0x70: {  	_ =	swait.ge [sflag:s23], $0x1000  }
0x71: {  	[sflag:s23] =	ssyncset.done $0x0  }
0x72: {  	s1 =	smul.u32 $0x50000, s25;
	s5 =	sshll.u32 s0, $0x6;
	[sflag:s23] =	ssyncadd.s32 $0xFFFFF000  }
0x73: {  	s6 =	sshrl.u32 s11, $0x3;
	s25 =	sadd.s32 $0x1, s25;
	_ =	swait.ge [sflag:s23], $0x1000  }
0x74: {  	s5 =	sor.u32 $0x1C03, s5;
	s1 =	sadd.s32 s1, s12;
	[sflag:s23] =	ssyncset.done $0x0  }
0x75: {  	p0 =	sne.s32 s25, $0x5;
	s1 =	sshrl.u32 s1, $0x3;
	[sflag:s23] =	ssyncadd.s32 $0xFFFFF000  }
.Ltmp5:
0x76: {  	s1 =	sadd.s32 s8, s1;
	[bflag:$0x0] =	sbarrier.arrive $0xFFFF;
	(pc) =	sbr.rel @!p0 .LBB2_23-.Ltmp5, $4  }
0x77: {  	[hbm:s1], [sflag:s5] =	dma.local [spmem:s6], $0xA00  }
0x78: {  	_ =	swait.ge [sflag:s14], $0xA00  }
0x79: {  	[sflag:s14] =	ssyncset.done $0x0  }
0x7a: {  	[sflag:s14] =	ssyncadd.s32 $0xFFFFF600  }
.LBB2_5:
0x7b: {  	s1 =	simm.s32 $0x80;
	s5 =	simm.s32 $0x0  }
.LBB2_6:
0x7c: {  	p0 =	sne.s32 s1, $0x13F80;
	[tilespmem:s5+$0xCC10] =	vst v0;
	s6 =	smov.u32 s1;
	s1 =	sadd.s32 $0x80, s1  }
.Ltmp6:
0x7d: {  	[tilespmem:s5+$0xCC20] =	vst v0;
	(pc) =	sbr.rel @p0 .LBB2_6-.Ltmp6, $2  }
0x7e: {  	_ =	sdelay $0x2  }
0x7f: {  	s5 =	sshra.s32 s6, $0x2  }
0x80: {  	[tilespmem:s5+$0xCC10] =	vst v0  }
0x81: {  	[tilespmem:s5+$0xCC20] =	vst v0  }
0x82: {  	[spmem:s11] =	stream.linear.scatter [tilespmem:s19], [sflag:$0x3], $0x5000, $0x38;
	[tilespmem:$0x19C10] =	vst v63  }
.Ltmp7:
0x83: {  	_ =	swait.ge [sflag:s14], $0x5000;
	(pc) =	sbr.rel .LBB2_8-.Ltmp7, $4  }
0x84: {  	[sflag:s14] =	ssyncset.done $0x0  }
0x85: {  	p0 =	por $0x0, $0x0;
	s26 =	simm.s32 $0x7820;
	[sflag:s14] =	ssyncadd.s32 $0xFFFFB000  }
0x86: {  	s28 =	simm.s32 $0x78A0;
	s29 =	simm.s32 $0x7920;
	[bflag:$0x0] =	sbarrier.arrive $0xFFFF  }
0x87: {  	v1 =	vmov s25;
	s30 =	simm.s32 $0x79A0;
	s31 =	simm.s32 $0x0;
	s1 =	simm.s32 $0x0  }
.LBB2_21:
0x88: {  	s1 =	sadd.s32 $0x1, s1  }
0x89: {  	p1 =	sne.s32 s1, $0x15  }
.Ltmp8:
0x8a: {  	_ = 	snop;
	(pc) =	sbr.rel @!p1 .LBB2_22-.Ltmp8, $3  }
0x8b: {  	_ =	sdelay $0x1  }
0x8c: {  	p0 =	por !p0, !p0;
	s26 =	sadd.s32 $0x200, s26;
	s28 =	sadd.s32 $0x200, s28  }
0x8d: {  	s29 =	sadd.s32 $0x200, s29;
	s30 =	sadd.s32 $0x200, s30;
	s31 =	sadd.s32 $0x200, s31  }
.LBB2_8:
0x8e: {  	p1 =	slt.u32 s1, $0x2  }
0x8f: {  	s5 =	simm.s32 @!p1 $0x2  }
0x90: {  	_ =	swait.ge @!p1 [sflag:s5], $0x1000  }
0x91: {  	[sflag:s5] =	ssyncset.done @!p1 $0x0  }
0x92: {  	[sflag:s5] =	ssyncadd.s32 @!p1 $0xFFFFF000  }
0x93: {  	_ =	swait.ge @!p1 [sflag:s5], $0x1000  }
0x94: {  	[sflag:s5] =	ssyncset.done @!p1 $0x0  }
0x95: {  	p2 =	seq.s32 @!p1 s1, $0x14;
	[sflag:s5] =	ssyncadd.s32 @!p1 $0xFFFFF000  }
0x96: {  	p2 =	por p1, !p2;
	_ =	swait.ge @!p1 [sflag:s5], $0x1000  }
.Ltmp9:
0x97: {  	[sflag:s5] =	ssyncset.done @!p1 $0x0;
	(pc) =	sbr.rel @!p2 .LBB2_18-.Ltmp9, $4  }
0x98: {  	[sflag:s5] =	ssyncadd.s32 @!p1 $0xFFFFF000  }
0x99: {  	_ =	swait.ge @!p1 [sflag:s5], $0x1000  }
0x9a: {  	[sflag:s5] =	ssyncset.done @!p1 $0x0  }
0x9b: {  	s16 =	sand.u32 $0x1, s1;
	[sflag:s5] =	ssyncadd.s32 @!p1 $0xFFFFF000  }
0x9c: {  	v2 =	vld [tilespmem:s26+$0xFFFFFFF0]  }
0x9d: {  	v3 =	vld [tilespmem:s26+$0x0];
	_ =	sdelay $0x1  }
0x9e: {  	s5 =	simm.s32 $0x1  }
0x9f: {  	s5 =	simm.s32 @!p0 $0x0  }
0xa0: {  	s6 =	sshll.u32 s5, $0x9;
	v4 =	vmul.u32 $0x5, v2  }
0xa1: {  	s10 =	sadd.s32 $0x20, s26;
	s5 =	sshll.u32 s16, $0x9;
	s18 =	sor.u32 $0xA1A0, s6;
	v5 =	vmul.u32 $0x5, v3  }
0xa2: {  	s7 =	sor.u32 $0xA120, s6;
	s9 =	sor.u32 $0xA0A0, s6;
	s6 =	sor.u32 $0xA020, s6;
	v2 =	vld [tilespmem:s10+$0xFFFFFFF0];
	v4 =	vadd.s32 v1, v4  }
0xa3: {  	s13 =	simm.s32 $0x20;
	s17 =	sor.u32 $0xA010, s5;
	v3 =	vld [tilespmem:s10+$0x0];
	[tilespmem:s6+$0xFFFFFFF0] =	vst v4;
	v4 =	vadd.s32 v1, v5  }
.LBB2_10:
0xa4: {  	s13 =	sadd.s32 $0x20, s13  }
0xa5: {  	[tilespmem:s6+$0x0] =	vst v4;
	s6 =	sadd.s32 $0x20, s6;
	p1 =	slt.u32 s13, $0x60  }
.Ltmp10:
0xa6: {  	(pc) =	sbr.rel @p1 .LBB2_10-.Ltmp10, $4  }
0xa7: {  	s10 =	sadd.s32 $0x20, s10;
	v4 =	vmul.u32 $0x5, v2  }
0xa8: {  	v2 =	vld [tilespmem:s10+$0xFFFFFFF0];
	v5 =	vmul.u32 $0x5, v3  }
0xa9: {  	v3 =	vld [tilespmem:s10+$0x0];
	v4 =	vadd.s32 v1, v4  }
0xaa: {  	[tilespmem:s6+$0xFFFFFFF0] =	vst v4;
	v4 =	vadd.s32 v1, v5  }
0xab: {  	_ =	sdelay $0x1  }
0xac: {  	v2 =	vmul.u32 $0x5, v2  }
0xad: {  	v3 =	vmul.u32 $0x5, v3  }
0xae: {  	[tilespmem:s6+$0x0] =	vst v4;
	s13 =	sadd.s32 $0x20, s6;
	v2 =	vadd.s32 v1, v2  }
0xaf: {  	[tilespmem:s13+$0xFFFFFFF0] =	vst v2;
	v2 =	vadd.s32 v1, v3  }
0xb0: {  	[tilespmem:s13+$0x0] =	vst v2  }
0xb1: {  	v2 =	vld [tilespmem:s28+$0xFFFFFFF0]  }
0xb2: {  	v3 =	vld [tilespmem:s28+$0x0];
	_ =	sdelay $0x3  }
0xb3: {  	v4 =	vmul.u32 $0x5, v2  }
0xb4: {  	s10 =	sadd.s32 $0x20, s28;
	v5 =	vmul.u32 $0x5, v3  }
0xb5: {  	v2 =	vld [tilespmem:s10+$0xFFFFFFF0];
	v4 =	vadd.s32 v1, v4  }
0xb6: {  	s6 =	sadd.s32 $0xA090, s5;
	s13 =	simm.s32 $0x20;
	v3 =	vld [tilespmem:s10+$0x0];
	[tilespmem:s9+$0xFFFFFFF0] =	vst v4;
	v4 =	vadd.s32 v1, v5  }
.LBB2_12:
0xb7: {  	s13 =	sadd.s32 $0x20, s13  }
0xb8: {  	[tilespmem:s9+$0x0] =	vst v4;
	s9 =	sadd.s32 $0x20, s9;
	p1 =	slt.u32 s13, $0x60  }
.Ltmp11:
0xb9: {  	(pc) =	sbr.rel @p1 .LBB2_12-.Ltmp11, $4  }
0xba: {  	s10 =	sadd.s32 $0x20, s10;
	v4 =	vmul.u32 $0x5, v2  }
0xbb: {  	v2 =	vld [tilespmem:s10+$0xFFFFFFF0];
	v5 =	vmul.u32 $0x5, v3  }
0xbc: {  	v3 =	vld [tilespmem:s10+$0x0];
	v4 =	vadd.s32 v1, v4  }
0xbd: {  	[tilespmem:s9+$0xFFFFFFF0] =	vst v4;
	v4 =	vadd.s32 v1, v5  }
0xbe: {  	_ =	sdelay $0x1  }
0xbf: {  	v2 =	vmul.u32 $0x5, v2  }
0xc0: {  	v3 =	vmul.u32 $0x5, v3  }
0xc1: {  	[tilespmem:s9+$0x0] =	vst v4;
	s13 =	sadd.s32 $0x20, s9;
	v2 =	vadd.s32 v1, v2  }
0xc2: {  	[tilespmem:s13+$0xFFFFFFF0] =	vst v2;
	v2 =	vadd.s32 v1, v3  }
0xc3: {  	[tilespmem:s13+$0x0] =	vst v2  }
0xc4: {  	v2 =	vld [tilespmem:s29+$0xFFFFFFF0]  }
0xc5: {  	v3 =	vld [tilespmem:s29+$0x0];
	_ =	sdelay $0x3  }
0xc6: {  	v4 =	vmul.u32 $0x5, v2  }
0xc7: {  	s10 =	sadd.s32 $0x20, s29;
	v5 =	vmul.u32 $0x5, v3  }
0xc8: {  	v2 =	vld [tilespmem:s10+$0xFFFFFFF0];
	v4 =	vadd.s32 v1, v4  }
0xc9: {  	s9 =	sadd.s32 $0xA110, s5;
	s13 =	simm.s32 $0x20;
	v3 =	vld [tilespmem:s10+$0x0];
	[tilespmem:s7+$0xFFFFFFF0] =	vst v4;
	v4 =	vadd.s32 v1, v5  }
.LBB2_14:
0xca: {  	s13 =	sadd.s32 $0x20, s13  }
0xcb: {  	[tilespmem:s7+$0x0] =	vst v4;
	s7 =	sadd.s32 $0x20, s7;
	p1 =	slt.u32 s13, $0x60  }
.Ltmp12:
0xcc: {  	(pc) =	sbr.rel @p1 .LBB2_14-.Ltmp12, $4  }
0xcd: {  	s10 =	sadd.s32 $0x20, s10;
	v4 =	vmul.u32 $0x5, v2  }
0xce: {  	v2 =	vld [tilespmem:s10+$0xFFFFFFF0];
	v5 =	vmul.u32 $0x5, v3  }
0xcf: {  	v3 =	vld [tilespmem:s10+$0x0];
	v4 =	vadd.s32 v1, v4  }
0xd0: {  	[tilespmem:s7+$0xFFFFFFF0] =	vst v4;
	v4 =	vadd.s32 v1, v5  }
0xd1: {  	_ =	sdelay $0x1  }
0xd2: {  	v2 =	vmul.u32 $0x5, v2  }
0xd3: {  	v3 =	vmul.u32 $0x5, v3  }
0xd4: {  	[tilespmem:s7+$0x0] =	vst v4;
	s13 =	sadd.s32 $0x20, s7;
	v2 =	vadd.s32 v1, v2  }
0xd5: {  	[tilespmem:s13+$0xFFFFFFF0] =	vst v2;
	v2 =	vadd.s32 v1, v3  }
0xd6: {  	[tilespmem:s13+$0x0] =	vst v2  }
0xd7: {  	v2 =	vld [tilespmem:s30+$0xFFFFFFF0]  }
0xd8: {  	v3 =	vld [tilespmem:s30+$0x0];
	_ =	sdelay $0x3  }
0xd9: {  	v4 =	vmul.u32 $0x5, v2  }
0xda: {  	s7 =	sadd.s32 $0x20, s30;
	v5 =	vmul.u32 $0x5, v3  }
0xdb: {  	v2 =	vld [tilespmem:s7+$0xFFFFFFF0];
	v4 =	vadd.s32 v1, v4  }
0xdc: {  	s5 =	sadd.s32 $0xA190, s5;
	s10 =	simm.s32 $0x20;
	v3 =	vld [tilespmem:s7+$0x0];
	[tilespmem:s18+$0xFFFFFFF0] =	vst v4;
	v4 =	vadd.s32 v1, v5  }
.LBB2_16:
0xdd: {  	s10 =	sadd.s32 $0x20, s10  }
0xde: {  	[tilespmem:s18+$0x0] =	vst v4;
	s18 =	sadd.s32 $0x20, s18;
	p1 =	slt.u32 s10, $0x60  }
.Ltmp13:
0xdf: {  	(pc) =	sbr.rel @p1 .LBB2_16-.Ltmp13, $4  }
0xe0: {  	s7 =	sadd.s32 $0x20, s7;
	v4 =	vmul.u32 $0x5, v2  }
0xe1: {  	v2 =	vld [tilespmem:s7+$0xFFFFFFF0];
	v5 =	vmul.u32 $0x5, v3  }
0xe2: {  	v3 =	vld [tilespmem:s7+$0x0];
	v4 =	vadd.s32 v1, v4  }
0xe3: {  	[tilespmem:s18+$0xFFFFFFF0] =	vst v4;
	v4 =	vadd.s32 v1, v5  }
0xe4: {  	_ =	sdelay $0x1  }
0xe5: {  	v2 =	vmul.u32 $0x5, v2  }
0xe6: {  	v3 =	vmul.u32 $0x5, v3  }
0xe7: {  	[tilespmem:s18+$0x0] =	vst v4;
	s7 =	sadd.s32 $0x20, s18;
	v2 =	vadd.s32 v1, v2  }
0xe8: {  	s10 =	sshll.u32 s16, $0xE;
	[tilespmem:s7+$0xFFFFFFF0] =	vst v2;
	v2 =	vadd.s32 v1, v3  }
0xe9: {  	s18 =	sadd.s32 $0xCC10, s10;
	[tilespmem:s7+$0x0] =	vst v2  }
0xea: {  	[tilespmem:s18], [sflag:$0x1] =	stream.indirect.gather [hbm4b:s2+s22], $0x20, s17, s22, $0xb8;
	[tilespmem:$0x19C10] =	vst v63  }
0xeb: {  	p1 =	seq.s32 s1, $0x0;
	s13 =	sadd.s32 $0xDC10, s10  }
0xec: {  	[tilespmem:s13], [sflag:$0x1] =	stream.indirect.gather [hbm4b:s2+s22], $0x20, s6, s22, $0xb8;
	[tilespmem:$0x19C10] =	vst v63  }
.Ltmp14:
0xed: {  	_ = 	snop;
	(pc) =	sbr.rel @p1 .LBB2_21-.Ltmp14, $4  }
0xee: {  	s17 =	sadd.s32 $0xEC10, s10  }
0xef: {  	[tilespmem:s17], [sflag:$0x1] =	stream.indirect.gather [hbm4b:s2+s22], $0x20, s9, s22, $0xb8;
	[tilespmem:$0x19C10] =	vst v63  }
0xf0: {  	s18 =	sadd.s32 $0xFC10, s10  }
0xf1: {  	[tilespmem:s18], [sflag:$0x1] =	stream.indirect.gather [hbm4b:s2+s22], $0x20, s5, s22, $0xb8;
	[tilespmem:$0x19C10] =	vst v63  }
.LBB2_18:
0xf2: {  	_ =	swait.ge [sflag:s20], $0x1000  }
0xf3: {  	[sflag:s20] =	ssyncset.done $0x0  }
0xf4: {  	s5 =	sadd.s32 $0xFFFFFFFC, s31;
	[sflag:s20] =	ssyncadd.s32 $0xFFFFF000  }
0xf5: {  	s6 =	sadd.s32 $0xFFFFFE06, s5;
	_ =	swait.ge [sflag:s20], $0x1000  }
0xf6: {  	v2 =	vmov s6;
	[sflag:s20] =	ssyncset.done $0x0  }
0xf7: {  	s7 =	sadd.s32 $0xFFFFFE04, s5;
	v2 =	vand.u32 $0xFFFFFFFE, v2;
	[sflag:s20] =	ssyncadd.s32 $0xFFFFF000  }
0xf8: {  	s9 =	sadd.s32 $0xFFFFFE05, s5;
	v3 =	vmov s7;
	v2 =	vbroadcast v2, $0x0;
	_ =	swait.ge [sflag:s20], $0x1000  }
0xf9: {  	v4 =	vmov s9;
	v3 =	vand.u32 $0xFFFFFFFC, v3;
	[sflag:s20] =	ssyncset.done $0x0  }
0xfa: {  	v4 =	vand.u32 $0xFFFFFFFD, v4;
	v5 =	vbroadcast v3, $0x0;
	[sflag:s20] =	ssyncadd.s32 $0xFFFFF000  }
0xfb: {  	s10 =	sshll.u32 s16, $0x9;
	v4 =	vbroadcast v4, $0x0;
	_ =	swait.ge [sflag:s20], $0x1000  }
0xfc: {  	s5 =	sadd.s32 $0xFFFFFE07, s5;
	s6 =	sxor.u32 $0x200, s10;
	[sflag:s20] =	ssyncset.done $0x0  }
0xfd: {  	v6 =	vmov s5;
	s17 =	sshll.u32 s6, $0x5;
	[sflag:s20] =	ssyncadd.s32 $0xFFFFF000  }
0xfe: {  	s5 =	sadd.s32 $0xCC50, s17;
	v3 =	vld.idx.msk [tilespmem:v2+s21+$0x0], $0xffff  }
0xff: {  	v7 =	vld [tilespmem:s5+$0x10]  }
0x100: {  	v5 =	vld.idx.msk [tilespmem:v5+s21+$0x0], $0xffff  }
0x101: {  	s13 =	sadd.s32 $0x0, s31;
	v12 =	vld.idx.msk [tilespmem:v4+s21+$0x0], $0xffff  }
0x102: {  	s7 =	sadd.s32 $0xFFFFFE06, s13;
	v2 =	vld.idx.msk [tilespmem:v6+s21+$0x0], $0xffff  }
0x103: {  	s18 =	sadd.s32 $0xFFFFFE04, s13;
	s9 =	sadd.s32 $0xFFFFFE05, s13;
	v4 =	vmov s7;
	v6 =	vld [tilespmem:s5+$0xFFFFFFC0]  }
0x104: {  	v9 =	vmov s18;
	v11 =	vmov s9;
	v8 =	vld [tilespmem:s5+$0xFFFFFFD0];
	v4 =	vand.u32 $0xFFFFFFFE, v4  }
0x105: {  	v9 =	vand.u32 $0xFFFFFFFC, v9;
	v10 =	vld [tilespmem:s5+$0xFFFFFFE0];
	v4 =	vbroadcast v4, $0x0;
	v7 =	vmul.f32 v7, v3  }
0x106: {  	v15 =	vand.u32 $0xFFFFFFFD, v11;
	v11 =	vbroadcast v9, $0x0;
	v14 =	vld [tilespmem:s5+$0xFFFFFFF0]  }
0x107: {  	v9 =	vbroadcast v15, $0x0;
	[tilespmem:s5+$0x10] =	vst v7;
	v7 =	vld [tilespmem:s5+$0x0]  }
0x108: {  	s10 =	sadd.s32 $0xFFFFFE07, s13;
	v13 =	vmul.f32 v6, v5;
	v6 =	vld [tilespmem:s5+$0x20]  }
0x109: {  	s6 =	sadd.s32 $0x80, s5;
	v16 =	vmul.f32 v8, v5;
	v5 =	vld [tilespmem:s5+$0x30];
	v8 =	vmov s10  }
0x10a: {  	[tilespmem:s5+$0xFFFFFFC0] =	vst v13;
	v13 =	vmul.f32 v10, v12;
	v10 =	vld [tilespmem:s6+$0x10]  }
0x10b: {  	s9 =	simm.s32 $0x4;
	s7 =	sadd.s32 $0xFFFFFFFF, s1;
	[tilespmem:s5+$0xFFFFFFD0] =	vst v16;
	v12 =	vmul.f32 v14, v12;
	v4 =	vld.idx.msk [tilespmem:v4+s21+$0x0], $0xffff  }
.LBB2_19:
0x10c: {  	s10 =	sadd.s32 s9, s31;
	s9 =	sadd.s32 $0x4, s9;
	v14 =	vld.idx.msk [tilespmem:v11+s21+$0x0], $0xffff;
	[tilespmem:s5+$0xFFFFFFE0] =	vst v13;
	v3 =	vmul.f32 v7, v3  }
0x10d: {  	s13 =	sadd.s32 $0xFFFFFE04, s10;
	s18 =	sadd.s32 $0xFFFFFE06, s10;
	p1 =	slt.u32 s9, $0x1FC;
	v15 =	vld.idx.msk [tilespmem:v9+s21+$0x0], $0xffff;
	[tilespmem:s5+$0xFFFFFFF0] =	vst v12;
	v6 =	vmul.f32 v6, v2  }
0x10e: {  	v7 =	vmov s13;
	s13 =	sadd.s32 $0xFFFFFE05, s10;
	v9 =	vmov s18;
	s10 =	sadd.s32 $0xFFFFFE07, s10;
	[tilespmem:s5+$0x0] =	vst v3;
	v11 =	vmul.f32 v5, v2;
	v2 =	vld.idx.msk [tilespmem:v8+s21+$0x0], $0xffff  }
0x10f: {  	v5 =	vand.u32 $0xFFFFFFFC, v7;
	v7 =	vmov s13;
	v8 =	vand.u32 $0xFFFFFFFE, v9;
	v12 =	vld [tilespmem:s6+$0xFFFFFFC0];
	[tilespmem:s5+$0x20] =	vst v6  }
0x110: {  	v6 =	vand.u32 $0xFFFFFFFD, v7;
	v13 =	vbroadcast v8, $0x0;
	v16 =	vld [tilespmem:s6+$0xFFFFFFD0];
	v7 =	vmul.f32 v10, v4;
	[tilespmem:s5+$0x30] =	vst v11;
	v3 =	vmovc v4;
	s5 =	smov.u32 s6  }
0x111: {  	v11 =	vbroadcast v5, $0x0;
	v8 =	vmov s10;
	v9 =	vbroadcast v6, $0x0;
	v10 =	vld [tilespmem:s6+$0xFFFFFFE0]  }
0x112: {  	v17 =	vld [tilespmem:s6+$0xFFFFFFF0];
	[tilespmem:s6+$0x10] =	vst v7  }
.Ltmp15:
0x113: {  	v7 =	vld [tilespmem:s6+$0x0];
	(pc) =	sbr.rel @p1 .LBB2_19-.Ltmp15, $4  }
0x114: {  	v12 =	vmul.f32 v12, v14;
	v6 =	vld [tilespmem:s6+$0x20]  }
0x115: {  	v14 =	vmul.f32 v16, v14;
	v5 =	vld [tilespmem:s6+$0x30]  }
0x116: {  	s6 =	sadd.s32 $0x80, s6;
	v4 =	vld.idx.msk [tilespmem:v13+s21+$0x0], $0xffff;
	[tilespmem:s5+$0xFFFFFFC0] =	vst v12;
	v13 =	vmul.f32 v10, v15  }
0x117: {  	v10 =	vld [tilespmem:s6+$0x10];
	[tilespmem:s5+$0xFFFFFFD0] =	vst v14;
	v12 =	vmul.f32 v17, v15  }
0x118: {  	_ =	sdelay $0x3  }
0x119: {  	v11 =	vld.idx.msk [tilespmem:v11+s21+$0x0], $0xffff  }
0x11a: {  	v9 =	vld.idx.msk [tilespmem:v9+s21+$0x0], $0xffff  }
0x11b: {  	v8 =	vld.idx.msk [tilespmem:v8+s21+$0x0], $0xffff  }
0x11c: {  	v14 =	vld [tilespmem:s6+$0xFFFFFFC0]  }
0x11d: {  	[tilespmem:s5+$0xFFFFFFE0] =	vst v13;
	v57 =	vld [tilespmem:s6+$0xFFFFFFD0];
	v3 =	vmul.f32 v7, v3  }
0x11e: {  	v58 =	vld [tilespmem:s6+$0xFFFFFFE0];
	[tilespmem:s5+$0xFFFFFFF0] =	vst v12;
	v6 =	vmul.f32 v6, v2  }
0x11f: {  	v59 =	vld [tilespmem:s6+$0xFFFFFFF0];
	[tilespmem:s5+$0x0] =	vst v3;
	v2 =	vmul.f32 v5, v2  }
0x120: {  	v3 =	vld [tilespmem:s6+$0x0];
	[tilespmem:s5+$0x20] =	vst v6;
	v10 =	vmul.f32 v10, v4  }
0x121: {  	v61 =	vld [tilespmem:s6+$0x20];
	[tilespmem:s5+$0x30] =	vst v2;
	v60 =	vmul.f32 v14, v11  }
0x122: {  	v62 =	vld [tilespmem:s6+$0x30];
	v2 =	vmul.f32 v57, v11;
	[tilespmem:s6+$0x10] =	vst v10  }
0x123: {  	v63 =	vmul.f32 v58, v9;
	[tilespmem:s6+$0xFFFFFFC0] =	vst v60  }
0x124: {  	[tilespmem:s6+$0xFFFFFFD0] =	vst v2;
	v2 =	vmul.f32 v59, v9  }
0x125: {  	[tilespmem:s6+$0xFFFFFFE0] =	vst v63;
	v3 =	vmul.f32 v3, v4  }
0x126: {  	[tilespmem:s6+$0xFFFFFFF0] =	vst v2;
	v2 =	vmul.f32 v61, v8  }
0x127: {  	s7 =	sshll.u32 s7, $0x9;
	[tilespmem:s6+$0x0] =	vst v3;
	v3 =	vmul.f32 v62, v8  }
0x128: {  	s5 =	sand.u32 $0x3FFFFE00, s7;
	[tilespmem:s6+$0x20] =	vst v2  }
0x129: {  	s9 =	sadd.s32 $0xCC10, s17;
	s13 =	sshll.u32 s16, $0xE;
	s10 =	sadd.s32 $0x5010, s5;
	[tilespmem:s6+$0x30] =	vst v3  }
0x12a: {  	[spmem:s3] =	stream.indirect.scatter.add.f32 [tilespmem:s9], [sflag:$0x2], $0x20, s10, s22, $0xb8;
	[tilespmem:$0x19C10] =	vst v63  }
0x12b: {  	s16 =	ssub.s32 $0x11C10, s13;
	s9 =	sadd.s32 $0x5090, s5  }
0x12c: {  	[spmem:s3] =	stream.indirect.scatter.add.f32 [tilespmem:s16], [sflag:$0x2], $0x20, s9, s22, $0xb8;
	[tilespmem:$0x19C10] =	vst v63  }
.Ltmp16:
0x12d: {  	_ = 	snop;
	(pc) =	sbr.rel .LBB2_21-.Ltmp16, $4  }
0x12e: {  	s17 =	ssub.s32 $0x12C10, s13;
	s18 =	sadd.s32 $0x5110, s5  }
0x12f: {  	[spmem:s3] =	stream.indirect.scatter.add.f32 [tilespmem:s17], [sflag:$0x2], $0x20, s18, s22, $0xb8;
	[tilespmem:$0x19C10] =	vst v63  }
0x130: {  	s6 =	ssub.s32 $0x13C10, s13;
	s5 =	sadd.s32 $0x5190, s5  }
0x131: {  	[spmem:s3] =	stream.indirect.scatter.add.f32 [tilespmem:s6], [sflag:$0x2], $0x20, s5, s22, $0xb8;
	[tilespmem:$0x19C10] =	vst v63  }
.LBB2_24:
0x132: {  	_ =	sfence.sel $0x180000  }
0x133: {  	[bflag:$0x0] =	sbarrier.arrive $0xFFFF  }
0x134: {  	_ =	strace $0x90000047  }
0x135: {  	[bflag:$0x2] =	sbarrier.arrive $0xFFFF  }
0x136: {  	p0 =	sne.s32 s0, $0x0;
	s0 =	rddreg [dreg:$0x3]  }
0x137: {  	s0 =	sadd.s32 @!p0 $0x100000, s0  }
0x138: {  	[sflag:s0] =	ssyncadd.tile.s32 @!p0 $0x1;
	_ =	shalt  }
.Lfunc_end2:
_tile_overlayer_lowered:
.L_overlay_start_2:
0x139: {  	(tag) =	ssettag $0x2  }
0x13a: {  	s0 =	rddreg [dreg:$0x0];
	s2 =	stileid.u32  }
0x13b: {  	s1 =	rddreg [dreg:$0x1];
	p0 =	sne.s32 s2, $0x0  }
0x13c: {  	s3 =	rddreg [dreg:$0x2];
	[bflag:$0x3] =	sbarrier.arrive $0xFFFF;
	s2 =	simm.s32 @!p0 $0x1C03  }
0x13d: {  	[timem:s3], [sflag:s2] =	dma.local @!p0 [hbm:s0], s1  }
0x13e: {  	s0 =	simm.s32 @!p0 $0x3  }
0x13f: {  	_ =	swait.ge @!p0 [sflag:s0], s1  }
0x140: {  	s1 =	ssub.s32 @!p0 $0x0, s1;
	[sflag:s0] =	ssyncset.done @!p0 $0x0  }
0x141: {  	[sflag:s0] =	ssyncadd.s32 @!p0 s1  }
0x142: {  	[bflag:$0x3] =	sbarrier.arrive $0xFFFF  }
0x143: {  	_ =	shalt  }

</sc_bundles>
